<compile_context>
chip_gen: v7x
topology: tpu7x:2x2x1
jax: 0.10.2.dev20260603
libtpu: 0.0.44.dev20260713+nightly
codegen_flags: <defaults>
</compile_context>

<pallas_src>
import functools

import jax
import jax.numpy as jnp
from jax import lax
from jax.experimental import pallas as pl
from jax.experimental.pallas import tpu as pltpu
from jax.experimental.pallas import tpu_sc as plsc

EMBED_DIM = 64
BATCH = 1024
SEQ_LEN = 200
N_TOK = BATCH * SEQ_LEN
N_WORKERS = 32
PER_W = N_TOK // N_WORKERS
CHUNK = 800
N_CHUNK = PER_W // CHUNK


NBUF = 2

NUM_EMB = 1000000
CB = 384
CBP = CB + 1
NBLK = NUM_EMB // CB
NBLK_LO = NBLK // N_WORKERS
NBLK_REM = NBLK - NBLK_LO * N_WORKERS
NUM_EMB_PAD = NBLK * CB + 128


def _sc_transpose(tab_hbm, fix_hbm, out_hbm, st0, st1, ob0, ob1,
                  ism0, ism1, osm0, osm1):
    wid = lax.axis_index("s") * 2 + lax.axis_index("c")
    nblk = NBLK_LO + jnp.where(wid < NBLK_REM, 1, 0)

    sts = [st0, st1]
    obs = [ob0, ob1]
    isms = [ism0, ism1]
    osms = [osm0, osm1]

    iota = lax.broadcasted_iota(jnp.int32, (16,), 0)
    rowv = [iota + 16 * m for m in range(4)]

    def transpose_block(st, ob):
        def rbody(r2, carry):
            for u in range(2):
                r = r2 * 2 + u
                for m in range(8):
                    col = jnp.full((16,), 2 * r + m // 4, jnp.int32)
                    vals = plsc.load_gather(st, [rowv[m % 4], col])
                    ob[r, pl.ds(16 * m, 16)] = vals
            return carry
        lax.fori_loop(0, CB // 4, rbody, 0)

    def bbody(i, carry):
        cps = [None] * NBUF
        for b in range(NBUF):
            t = i * NBUF + b

            @pl.when((t >= NBUF) & (t < nblk))
            def _drain():
                pltpu.make_async_copy(
                    obs[b], out_hbm.at[pl.ds(0, CB // 2)], osms[b]).wait()

            @pl.when(t < nblk)
            def _fetch():
                c0 = pl.multiple_of((wid + t * N_WORKERS) * CB, 128)
                pltpu.async_copy(
                    tab_hbm.at[:, pl.ds(c0, CB)],
                    sts[b].at[:, pl.ds(0, CB)], isms[b])
        for b in range(NBUF):
            t = i * NBUF + b

            @pl.when(t < nblk)
            def _work():
                pltpu.make_async_copy(
                    tab_hbm.at[:, pl.ds(0, CB)],
                    sts[b].at[:, pl.ds(0, CB)], isms[b]).wait()
                transpose_block(sts[b], obs[b])
                o0 = pl.multiple_of((wid + t * N_WORKERS) * (CB // 2), 8)
                pltpu.async_copy(
                    obs[b], out_hbm.at[pl.ds(o0, CB // 2)], osms[b])
        return carry

    lax.fori_loop(0, (NBLK_LO + 1 + NBUF - 1) // NBUF, bbody, 0)
    for b in range(NBUF):
        pltpu.make_async_copy(
            obs[b], out_hbm.at[pl.ds(0, CB // 2)], osms[b]).wait()

    @pl.when(wid == N_WORKERS - 1)
    def _tail():
        pltpu.async_copy(fix_hbm, ob0.at[pl.ds(0, 32)], isms[0]).wait()
        pltpu.async_copy(
            ob0.at[pl.ds(0, 32)],
            out_hbm.at[pl.ds(NBLK * CB // 2, 32)], osms[0]).wait()


_transpose_call = functools.partial(
    pl.kernel,
    mesh=plsc.VectorSubcoreMesh(core_axis_name="c", subcore_axis_name="s"),
    out_type=jax.ShapeDtypeStruct((NUM_EMB_PAD // 2, 128), jnp.float32),
    scratch_types=[
        pltpu.VMEM((EMBED_DIM, CBP), jnp.float32),
        pltpu.VMEM((EMBED_DIM, CBP), jnp.float32),
        pltpu.VMEM((CB // 2, 128), jnp.float32),
        pltpu.VMEM((CB // 2, 128), jnp.float32),
        pltpu.SemaphoreType.DMA,
        pltpu.SemaphoreType.DMA,
        pltpu.SemaphoreType.DMA,
        pltpu.SemaphoreType.DMA,
    ],
    compiler_params=pltpu.CompilerParams(needs_layout_passes=False),
)(_sc_transpose)


def _sc_gather(table_hbm, idx_hbm, out_hbm, idx_v,
               rows0, rows1, gsem0, gsem1, osem0, osem1):
    wid = lax.axis_index("s") * 2 + lax.axis_index("c")
    base = wid * PER_W

    rows = [rows0, rows1]
    gsems = [gsem0, gsem1]
    osems = [osem0, osem1]

    pltpu.sync_copy(idx_hbm.at[pl.ds(wid * N_CHUNK, N_CHUNK)], idx_v)

    gcp = [None] * N_CHUNK
    ocp = [None] * N_CHUNK
    for j in range(N_CHUNK + 1):
        if j < N_CHUNK:
            b = j % NBUF
            if j >= NBUF:
                ocp[j - NBUF].wait()
            gcp[j] = pltpu.async_copy(
                table_hbm.at[idx_v.at[j]], rows[b], gsems[b])
        if j >= 1:
            k = j - 1
            b = k % NBUF
            gcp[k].wait()
            ocp[k] = pltpu.async_copy(
                rows[b], out_hbm.at[pl.ds(base + k * CHUNK, CHUNK)], osems[b])
    for k in range(N_CHUNK - NBUF, N_CHUNK):
        ocp[k].wait()


_gather_call = functools.partial(
    pl.kernel,
    mesh=plsc.VectorSubcoreMesh(core_axis_name="c", subcore_axis_name="s"),
    out_type=jax.ShapeDtypeStruct((N_TOK, EMBED_DIM), jnp.float32),
    scratch_types=[
        pltpu.VMEM((N_CHUNK, CHUNK), jnp.int32),
        pltpu.VMEM((CHUNK, EMBED_DIM), jnp.float32),
        pltpu.VMEM((CHUNK, EMBED_DIM), jnp.float32),
        pltpu.SemaphoreType.DMA,
        pltpu.SemaphoreType.DMA,
        pltpu.SemaphoreType.DMA,
        pltpu.SemaphoreType.DMA,
    ],
    compiler_params=pltpu.CompilerParams(use_tc_tiling_on_sc=False),
)(_sc_gather)


def _mask_body(tokens_ref, pad_ref, seq_ref):
    pad_ref[...] = tokens_ref[...] == 0
    row = lax.broadcasted_iota(jnp.int32, (SEQ_LEN, SEQ_LEN), 0)
    col = lax.broadcasted_iota(jnp.int32, (SEQ_LEN, SEQ_LEN), 1)
    seq_ref[...] = col > row


_mask_call = pl.pallas_call(
    _mask_body,
    out_shape=(
        jax.ShapeDtypeStruct((BATCH, SEQ_LEN), jnp.bool_),
        jax.ShapeDtypeStruct((SEQ_LEN, SEQ_LEN), jnp.bool_),
    ),
)


@jax.jit
def kernel(tokens, table):
    tokens = tokens.astype(jnp.int32)
    idx = tokens.reshape(N_WORKERS * N_CHUNK, CHUNK)
    fix = table[NBLK * CB:].reshape(32, 128)
    tlin = _transpose_call(table.T, fix).reshape(NUM_EMB_PAD, EMBED_DIM)
    features = _gather_call(tlin, idx).reshape(BATCH, SEQ_LEN, EMBED_DIM)
    pad, seq = _mask_call(tokens)
    return (features, (pad[:, None, :], seq))

# --- scband reference (transcript-rebuilt; emitter-appended) ---
"""Pipeline reference for scband-usual-embedding-40621800686279 (READ-ONLY COPY).

The authoritative reference and input builder live on the scoring server;
editing this copy changes nothing except your own understanding.
"""

import jax, jax.numpy as jnp
import numpy as np

NUM_EMBEDDINGS = 1000000
EMBED_DIM = 64
PADDING_IDX = 0
BATCH = 1024
SEQ_LEN = 200


def setup_inputs(seed: int = 0) -> dict:
    key = jax.random.key(seed)
    k_tok, k_tab = jax.random.split(key)
    tokens = jax.random.randint(k_tok, (BATCH, SEQ_LEN), 0, NUM_EMBEDDINGS, dtype=jnp.int64)
    table = jax.random.normal(k_tab, (NUM_EMBEDDINGS, EMBED_DIM), dtype=jnp.float32) * 0.02
    # emulate nn.Embedding padding_idx: row at padding_idx is zeros
    table = table.at[PADDING_IDX].set(0.0)
    return {"tokens": tokens, "table": table}


def generate_padding_mask(tokens, padding_idx):
    # True where token is padding; shape [B, 1, L] for broadcasting over attention
    return (tokens == padding_idx)[:, None, :]


def generate_sequential_mask(seq_len):
    # causal mask: True above the diagonal (positions to be masked)
    return jnp.triu(jnp.ones((seq_len, seq_len), dtype=jnp.bool_), k=1)


def reference(tokens, table):
    padding_masks = generate_padding_mask(tokens, PADDING_IDX)
    seq_len = tokens.shape[-1]
    sequential_masks = generate_sequential_mask(seq_len)
    # embedding lookup (gather)
    features = jnp.take(table, tokens, axis=0)
    return (features, (padding_masks, sequential_masks))

if __name__ == "__main__":
    import jax
    _d = setup_inputs()
    print(jax.jit(kernel)(*tuple(_d.values())))

</pallas_src>

<mosaic_0001>
#map = affine_map<(d0, d1) -> (0, 0)>
module attributes {stable_mosaic.version = 14 : i64} {
  func.func @_sc_transpose(%arg0: i32, %arg1: i32, %arg2: memref<64x1000000xf32, #tpu.memory_space<hbm>>, %arg3: memref<32x128xf32, #tpu.memory_space<hbm>>, %arg4: memref<500032x128xf32, #tpu.memory_space<hbm>>, %arg5: memref<64x385xf32, #tpu.memory_space<vmem>>, %arg6: memref<64x385xf32, #tpu.memory_space<vmem>>, %arg7: memref<192x128xf32, #tpu.memory_space<vmem>>, %arg8: memref<192x128xf32, #tpu.memory_space<vmem>>, %arg9: memref<!tpu.dma_semaphore, #tpu.memory_space<semaphore_mem>>, %arg10: memref<!tpu.dma_semaphore, #tpu.memory_space<semaphore_mem>>, %arg11: memref<!tpu.dma_semaphore, #tpu.memory_space<semaphore_mem>>, %arg12: memref<!tpu.dma_semaphore, #tpu.memory_space<semaphore_mem>>) attributes {dimension_semantics = [#tpu.dimension_semantics<core_parallel>, #tpu.dimension_semantics<subcore_parallel>], iteration_bounds = array<i64: 2, 16>, scalar_prefetch = 0 : i64, scratch_operands = 8 : i64, tpu.core_type = #tpu.core_type<sc_vector_subcore>, window_params = [{transform_indices = #map}, {transform_indices = #map}, {transform_indices = #map}]} {
    %mul3A = arith.constant 2 : i32
    %mul3A_0 = arith.muli %arg1, %mul3A : i32
    %add3A = arith.addi %mul3A_0, %arg0 : i32
    %lt3A = arith.constant 12 : i32
    %lt3A_1 = arith.cmpi slt, %add3A, %lt3A : i32
    %jit3A = arith.constant 1 : i32
    %jit3A_2 = arith.constant 0 : i32
    %select_n3A = arith.select %lt3A_1, %jit3A, %jit3A_2 : i32
    %add3A_3 = arith.constant 81 : i32
    %add3A_4 = arith.addi %add3A_3, %select_n3A : i32
    %iota3A = tpu.iota {dimensions = array<i32: 0>} : vector<16xi32>
    %add3A_5 = arith.constant 0 : i32
    %add3A_6 = vector.broadcast %add3A_5 : i32 to vector<16xi32>
    %add3A_7 = arith.addi %iota3A, %add3A_6 : vector<16xi32>
    %add3A_8 = arith.constant 16 : i32
    %add3A_9 = vector.broadcast %add3A_8 : i32 to vector<16xi32>
    %add3A_10 = arith.addi %iota3A, %add3A_9 : vector<16xi32>
    %add3A_11 = arith.constant 32 : i32
    %add3A_12 = vector.broadcast %add3A_11 : i32 to vector<16xi32>
    %add3A_13 = arith.addi %iota3A, %add3A_12 : vector<16xi32>
    %add3A_14 = arith.constant 48 : i32
    %add3A_15 = vector.broadcast %add3A_14 : i32 to vector<16xi32>
    %add3A_16 = arith.addi %iota3A, %add3A_15 : vector<16xi32>
    %scan3A = arith.constant 0 : i32
    %scan3A_17 = arith.constant 0 : i32
    %scan3A_18 = arith.constant 41 : i32
    %scan3A_19 = arith.addi %scan3A_17, %scan3A_18 : i32
    %scan3A_20 = arith.constant 1 : i32
    scf.for %scan3A_35 = %scan3A_17 to %scan3A_19 step %scan3A_20  : i32 {
      %mul3A_36 = arith.constant 2 : i32
      %mul3A_37 = arith.muli %scan3A_35, %mul3A_36 : i32
      %add3A_38 = arith.constant 0 : i32
      %add3A_39 = arith.addi %mul3A_37, %add3A_38 : i32
      %ge3A = arith.constant 2 : i32
      %ge3A_40 = arith.cmpi sge, %add3A_39, %ge3A : i32
      %lt3A_41 = arith.cmpi slt, %add3A_39, %add3A_4 : i32
      %and3A = arith.andi %ge3A_40, %lt3A_41 : i1
      %convert_element_type3A_42 = arith.extui %and3A : i1 to i32
      %cond3A_43 = arith.constant 0 : i32
      %cond3A_44 = arith.cmpi ne, %convert_element_type3A_42, %cond3A_43 : i32
      scf.if %cond3A_44 {
        %dma_wait3A_80 = arith.constant 0 : i32
        %dma_wait3A_81 = arith.constant 0 : i32
        %dma_wait3A_82 = tpu.memref_slice %arg4[%dma_wait3A_80, %dma_wait3A_81] : memref<500032x128xf32, #tpu.memory_space<hbm>> -> memref<192x128xf32, #tpu.memory_space<hbm>>
        %dma_wait3A_83 = arith.constant 0 : i32
        %dma_wait3A_84 = arith.constant 0 : i32
        %dma_wait3A_85 = tpu.memref_slice %arg4[%dma_wait3A_83, %dma_wait3A_84] : memref<500032x128xf32, #tpu.memory_space<hbm>> -> memref<192x128xf32, #tpu.memory_space<hbm>>
        tpu.wait_dma2 semaphore(%arg11 : memref<!tpu.dma_semaphore, #tpu.memory_space<semaphore_mem>>) src(%arg7 : memref<192x128xf32, #tpu.memory_space<vmem>>) dst(%dma_wait3A_85 : memref<192x128xf32, #tpu.memory_space<hbm>>)
      } else {
      }
      %lt3A_45 = arith.cmpi slt, %add3A_39, %add3A_4 : i32
      %convert_element_type3A_46 = arith.extui %lt3A_45 : i1 to i32
      %cond3A_47 = arith.constant 0 : i32
      %cond3A_48 = arith.cmpi ne, %convert_element_type3A_46, %cond3A_47 : i32
      scf.if %cond3A_48 {
        %mul3A_80 = arith.constant 32 : i32
        %mul3A_81 = arith.muli %add3A_39, %mul3A_80 : i32
        %add3A_82 = arith.addi %add3A, %mul3A_81 : i32
        %mul3A_83 = arith.constant 384 : i32
        %mul3A_84 = arith.muli %add3A_82, %mul3A_83 : i32
        %multiple_of3A = tpu.assume_multiple %mul3A_84, 128 : i32
        %dma_start3A = arith.constant 0 : i32
        %dma_start3A_85 = arith.constant 0 : i32
        %dma_start3A_86 = tpu.memref_slice %arg5[%dma_start3A, %dma_start3A_85] : memref<64x385xf32, #tpu.memory_space<vmem>> -> memref<64x384xf32, #tpu.memory_space<vmem>>
        %dma_start3A_87 = arith.constant 0 : i32
        %dma_start3A_88 = tpu.memref_slice %arg2[%dma_start3A_87, %multiple_of3A] : memref<64x1000000xf32, #tpu.memory_space<hbm>> -> memref<64x384xf32, #tpu.memory_space<hbm>>
        %dma_start3A_89 = arith.constant 0 : i32
        %dma_start3A_90 = arith.constant 0 : i32
        %dma_start3A_91 = tpu.memref_slice %arg5[%dma_start3A_89, %dma_start3A_90] : memref<64x385xf32, #tpu.memory_space<vmem>> -> memref<64x384xf32, #tpu.memory_space<vmem>>
        %dma_start3A_92 = arith.constant 0 : i32
        %dma_start3A_93 = tpu.memref_slice %arg2[%dma_start3A_92, %multiple_of3A] : memref<64x1000000xf32, #tpu.memory_space<hbm>> -> memref<64x384xf32, #tpu.memory_space<hbm>>
        tpu.enqueue_dma source(%dma_start3A_93 : memref<64x384xf32, #tpu.memory_space<hbm>>) target(%dma_start3A_91 : memref<64x384xf32, #tpu.memory_space<vmem>>) target_semaphore(%arg9 : memref<!tpu.dma_semaphore, #tpu.memory_space<semaphore_mem>>)
      } else {
      }
      %mul3A_49 = arith.constant 2 : i32
      %mul3A_50 = arith.muli %scan3A_35, %mul3A_49 : i32
      %add3A_51 = arith.constant 1 : i32
      %add3A_52 = arith.addi %mul3A_50, %add3A_51 : i32
      %ge3A_53 = arith.constant 2 : i32
      %ge3A_54 = arith.cmpi sge, %add3A_52, %ge3A_53 : i32
      %lt3A_55 = arith.cmpi slt, %add3A_52, %add3A_4 : i32
      %and3A_56 = arith.andi %ge3A_54, %lt3A_55 : i1
      %convert_element_type3A_57 = arith.extui %and3A_56 : i1 to i32
      %cond3A_58 = arith.constant 0 : i32
      %cond3A_59 = arith.cmpi ne, %convert_element_type3A_57, %cond3A_58 : i32
      scf.if %cond3A_59 {
        %dma_wait3A_80 = arith.constant 0 : i32
        %dma_wait3A_81 = arith.constant 0 : i32
        %dma_wait3A_82 = tpu.memref_slice %arg4[%dma_wait3A_80, %dma_wait3A_81] : memref<500032x128xf32, #tpu.memory_space<hbm>> -> memref<192x128xf32, #tpu.memory_space<hbm>>
        %dma_wait3A_83 = arith.constant 0 : i32
        %dma_wait3A_84 = arith.constant 0 : i32
        %dma_wait3A_85 = tpu.memref_slice %arg4[%dma_wait3A_83, %dma_wait3A_84] : memref<500032x128xf32, #tpu.memory_space<hbm>> -> memref<192x128xf32, #tpu.memory_space<hbm>>
        tpu.wait_dma2 semaphore(%arg12 : memref<!tpu.dma_semaphore, #tpu.memory_space<semaphore_mem>>) src(%arg8 : memref<192x128xf32, #tpu.memory_space<vmem>>) dst(%dma_wait3A_85 : memref<192x128xf32, #tpu.memory_space<hbm>>)
      } else {
      }
      %lt3A_60 = arith.cmpi slt, %add3A_52, %add3A_4 : i32
      %convert_element_type3A_61 = arith.extui %lt3A_60 : i1 to i32
      %cond3A_62 = arith.constant 0 : i32
      %cond3A_63 = arith.cmpi ne, %convert_element_type3A_61, %cond3A_62 : i32
      scf.if %cond3A_63 {
        %mul3A_80 = arith.constant 32 : i32
        %mul3A_81 = arith.muli %add3A_52, %mul3A_80 : i32
        %add3A_82 = arith.addi %add3A, %mul3A_81 : i32
        %mul3A_83 = arith.constant 384 : i32
        %mul3A_84 = arith.muli %add3A_82, %mul3A_83 : i32
        %multiple_of3A = tpu.assume_multiple %mul3A_84, 128 : i32
        %dma_start3A = arith.constant 0 : i32
        %dma_start3A_85 = arith.constant 0 : i32
        %dma_start3A_86 = tpu.memref_slice %arg6[%dma_start3A, %dma_start3A_85] : memref<64x385xf32, #tpu.memory_space<vmem>> -> memref<64x384xf32, #tpu.memory_space<vmem>>
        %dma_start3A_87 = arith.constant 0 : i32
        %dma_start3A_88 = tpu.memref_slice %arg2[%dma_start3A_87, %multiple_of3A] : memref<64x1000000xf32, #tpu.memory_space<hbm>> -> memref<64x384xf32, #tpu.memory_space<hbm>>
        %dma_start3A_89 = arith.constant 0 : i32
        %dma_start3A_90 = arith.constant 0 : i32
        %dma_start3A_91 = tpu.memref_slice %arg6[%dma_start3A_89, %dma_start3A_90] : memref<64x385xf32, #tpu.memory_space<vmem>> -> memref<64x384xf32, #tpu.memory_space<vmem>>
        %dma_start3A_92 = arith.constant 0 : i32
        %dma_start3A_93 = tpu.memref_slice %arg2[%dma_start3A_92, %multiple_of3A] : memref<64x1000000xf32, #tpu.memory_space<hbm>> -> memref<64x384xf32, #tpu.memory_space<hbm>>
        tpu.enqueue_dma source(%dma_start3A_93 : memref<64x384xf32, #tpu.memory_space<hbm>>) target(%dma_start3A_91 : memref<64x384xf32, #tpu.memory_space<vmem>>) target_semaphore(%arg10 : memref<!tpu.dma_semaphore, #tpu.memory_space<semaphore_mem>>)
      } else {
      }
      %mul3A_64 = arith.constant 2 : i32
      %mul3A_65 = arith.muli %scan3A_35, %mul3A_64 : i32
      %add3A_66 = arith.constant 0 : i32
      %add3A_67 = arith.addi %mul3A_65, %add3A_66 : i32
      %lt3A_68 = arith.cmpi slt, %add3A_67, %add3A_4 : i32
      %convert_element_type3A_69 = arith.extui %lt3A_68 : i1 to i32
      %cond3A_70 = arith.constant 0 : i32
      %cond3A_71 = arith.cmpi ne, %convert_element_type3A_69, %cond3A_70 : i32
      scf.if %cond3A_71 {
        %dma_wait3A_80 = arith.constant 0 : i32
        %dma_wait3A_81 = arith.constant 0 : i32
        %dma_wait3A_82 = tpu.memref_slice %arg5[%dma_wait3A_80, %dma_wait3A_81] : memref<64x385xf32, #tpu.memory_space<vmem>> -> memref<64x384xf32, #tpu.memory_space<vmem>>
        %dma_wait3A_83 = arith.constant 0 : i32
        %dma_wait3A_84 = arith.constant 0 : i32
        %dma_wait3A_85 = tpu.memref_slice %arg2[%dma_wait3A_83, %dma_wait3A_84] : memref<64x1000000xf32, #tpu.memory_space<hbm>> -> memref<64x384xf32, #tpu.memory_space<hbm>>
        %dma_wait3A_86 = arith.constant 0 : i32
        %dma_wait3A_87 = arith.constant 0 : i32
        %dma_wait3A_88 = tpu.memref_slice %arg5[%dma_wait3A_86, %dma_wait3A_87] : memref<64x385xf32, #tpu.memory_space<vmem>> -> memref<64x384xf32, #tpu.memory_space<vmem>>
        %dma_wait3A_89 = arith.constant 0 : i32
        %dma_wait3A_90 = arith.constant 0 : i32
        %dma_wait3A_91 = tpu.memref_slice %arg2[%dma_wait3A_89, %dma_wait3A_90] : memref<64x1000000xf32, #tpu.memory_space<hbm>> -> memref<64x384xf32, #tpu.memory_space<hbm>>
        tpu.wait_dma2 semaphore(%arg9 : memref<!tpu.dma_semaphore, #tpu.memory_space<semaphore_mem>>) src(%dma_wait3A_91 : memref<64x384xf32, #tpu.memory_space<hbm>>) dst(%dma_wait3A_88 : memref<64x384xf32, #tpu.memory_space<vmem>>)
        %scan3A_92 = arith.constant 0 : i32
        %scan3A_93 = arith.constant 0 : i32
        %scan3A_94 = arith.constant 96 : i32
        %scan3A_95 = arith.addi %scan3A_93, %scan3A_94 : i32
        %scan3A_96 = arith.constant 1 : i32
        scf.for %scan3A_106 = %scan3A_93 to %scan3A_95 step %scan3A_96  : i32 {
          %mul3A_107 = arith.constant 2 : i32
          %mul3A_108 = arith.muli %scan3A_106, %mul3A_107 : i32
          %add3A_109 = arith.constant 0 : i32
          %add3A_110 = arith.addi %mul3A_108, %add3A_109 : i32
          %mul3A_111 = arith.constant 2 : i32
          %mul3A_112 = arith.muli %mul3A_111, %add3A_110 : i32
          %add3A_113 = arith.constant 0 : i32
          %add3A_114 = arith.addi %mul3A_112, %add3A_113 : i32
          %broadcast_in_dim3A = vector.broadcast %add3A_114 : i32 to vector<16xi32>
          %gather3A = tpu.vector_load_idx %arg5[%add3A_7, %broadcast_in_dim3A] : memref<64x385xf32, #tpu.memory_space<vmem>>[vector<16xi32>, vector<16xi32>], vector<16xf32>,
          %swap3A = arith.index_cast %add3A_110 : i32 to index
          %swap3A_115 = arith.constant 0 : index
          %swap3A_116 = tpu.vector_load %arg7[%swap3A, %swap3A_115] {strides = array<i32>} : memref<192x128xf32, #tpu.memory_space<vmem>>, vector<16xf32>,
          tpu.vector_store %arg7[%swap3A, %swap3A_115], %gather3A {strides = array<i32>} : memref<192x128xf32, #tpu.memory_space<vmem>>, vector<16xf32>,
          %mul3A_117 = arith.constant 2 : i32
          %mul3A_118 = arith.muli %mul3A_117, %add3A_110 : i32
          %add3A_119 = arith.constant 0 : i32
          %add3A_120 = arith.addi %mul3A_118, %add3A_119 : i32
          %broadcast_in_dim3A_121 = vector.broadcast %add3A_120 : i32 to vector<16xi32>
          %gather3A_122 = tpu.vector_load_idx %arg5[%add3A_10, %broadcast_in_dim3A_121] : memref<64x385xf32, #tpu.memory_space<vmem>>[vector<16xi32>, vector<16xi32>], vector<16xf32>,
          %swap3A_123 = arith.index_cast %add3A_110 : i32 to index
          %swap3A_124 = arith.constant 16 : index
          %swap3A_125 = tpu.vector_load %arg7[%swap3A_123, %swap3A_124] {strides = array<i32>} : memref<192x128xf32, #tpu.memory_space<vmem>>, vector<16xf32>,
          tpu.vector_store %arg7[%swap3A_123, %swap3A_124], %gather3A_122 {strides = array<i32>} : memref<192x128xf32, #tpu.memory_space<vmem>>, vector<16xf32>,
          %mul3A_126 = arith.constant 2 : i32
          %mul3A_127 = arith.muli %mul3A_126, %add3A_110 : i32
          %add3A_128 = arith.constant 0 : i32
          %add3A_129 = arith.addi %mul3A_127, %add3A_128 : i32
          %broadcast_in_dim3A_130 = vector.broadcast %add3A_129 : i32 to vector<16xi32>
          %gather3A_131 = tpu.vector_load_idx %arg5[%add3A_13, %broadcast_in_dim3A_130] : memref<64x385xf32, #tpu.memory_space<vmem>>[vector<16xi32>, vector<16xi32>], vector<16xf32>,
          %swap3A_132 = arith.index_cast %add3A_110 : i32 to index
          %swap3A_133 = arith.constant 32 : index
          %swap3A_134 = tpu.vector_load %arg7[%swap3A_132, %swap3A_133] {strides = array<i32>} : memref<192x128xf32, #tpu.memory_space<vmem>>, vector<16xf32>,
          tpu.vector_store %arg7[%swap3A_132, %swap3A_133], %gather3A_131 {strides = array<i32>} : memref<192x128xf32, #tpu.memory_space<vmem>>, vector<16xf32>,
          %mul3A_135 = arith.constant 2 : i32
          %mul3A_136 = arith.muli %mul3A_135, %add3A_110 : i32
          %add3A_137 = arith.constant 0 : i32
          %add3A_138 = arith.addi %mul3A_136, %add3A_137 : i32
          %broadcast_in_dim3A_139 = vector.broadcast %add3A_138 : i32 to vector<16xi32>
          %gather3A_140 = tpu.vector_load_idx %arg5[%add3A_16, %broadcast_in_dim3A_139] : memref<64x385xf32, #tpu.memory_space<vmem>>[vector<16xi32>, vector<16xi32>], vector<16xf32>,
          %swap3A_141 = arith.index_cast %add3A_110 : i32 to index
          %swap3A_142 = arith.constant 48 : index
          %swap3A_143 = tpu.vector_load %arg7[%swap3A_141, %swap3A_142] {strides = array<i32>} : memref<192x128xf32, #tpu.memory_space<vmem>>, vector<16xf32>,
          tpu.vector_store %arg7[%swap3A_141, %swap3A_142], %gather3A_140 {strides = array<i32>} : memref<192x128xf32, #tpu.memory_space<vmem>>, vector<16xf32>,
          %mul3A_144 = arith.constant 2 : i32
          %mul3A_145 = arith.muli %mul3A_144, %add3A_110 : i32
          %add3A_146 = arith.constant 1 : i32
          %add3A_147 = arith.addi %mul3A_145, %add3A_146 : i32
          %broadcast_in_dim3A_148 = vector.broadcast %add3A_147 : i32 to vector<16xi32>
          %gather3A_149 = tpu.vector_load_idx %arg5[%add3A_7, %broadcast_in_dim3A_148] : memref<64x385xf32, #tpu.memory_space<vmem>>[vector<16xi32>, vector<16xi32>], vector<16xf32>,
          %swap3A_150 = arith.index_cast %add3A_110 : i32 to index
          %swap3A_151 = arith.constant 64 : index
          %swap3A_152 = tpu.vector_load %arg7[%swap3A_150, %swap3A_151] {strides = array<i32>} : memref<192x128xf32, #tpu.memory_space<vmem>>, vector<16xf32>,
          tpu.vector_store %arg7[%swap3A_150, %swap3A_151], %gather3A_149 {strides = array<i32>} : memref<192x128xf32, #tpu.memory_space<vmem>>, vector<16xf32>,
          %mul3A_153 = arith.constant 2 : i32
          %mul3A_154 = arith.muli %mul3A_153, %add3A_110 : i32
          %add3A_155 = arith.constant 1 : i32
          %add3A_156 = arith.addi %mul3A_154, %add3A_155 : i32
          %broadcast_in_dim3A_157 = vector.broadcast %add3A_156 : i32 to vector<16xi32>
          %gather3A_158 = tpu.vector_load_idx %arg5[%add3A_10, %broadcast_in_dim3A_157] : memref<64x385xf32, #tpu.memory_space<vmem>>[vector<16xi32>, vector<16xi32>], vector<16xf32>,
          %swap3A_159 = arith.index_cast %add3A_110 : i32 to index
          %swap3A_160 = arith.constant 80 : index
          %swap3A_161 = tpu.vector_load %arg7[%swap3A_159, %swap3A_160] {strides = array<i32>} : memref<192x128xf32, #tpu.memory_space<vmem>>, vector<16xf32>,
          tpu.vector_store %arg7[%swap3A_159, %swap3A_160], %gather3A_158 {strides = array<i32>} : memref<192x128xf32, #tpu.memory_space<vmem>>, vector<16xf32>,
          %mul3A_162 = arith.constant 2 : i32
          %mul3A_163 = arith.muli %mul3A_162, %add3A_110 : i32
          %add3A_164 = arith.constant 1 : i32
          %add3A_165 = arith.addi %mul3A_163, %add3A_164 : i32
          %broadcast_in_dim3A_166 = vector.broadcast %add3A_165 : i32 to vector<16xi32>
          %gather3A_167 = tpu.vector_load_idx %arg5[%add3A_13, %broadcast_in_dim3A_166] : memref<64x385xf32, #tpu.memory_space<vmem>>[vector<16xi32>, vector<16xi32>], vector<16xf32>,
          %swap3A_168 = arith.index_cast %add3A_110 : i32 to index
          %swap3A_169 = arith.constant 96 : index
          %swap3A_170 = tpu.vector_load %arg7[%swap3A_168, %swap3A_169] {strides = array<i32>} : memref<192x128xf32, #tpu.memory_space<vmem>>, vector<16xf32>,
          tpu.vector_store %arg7[%swap3A_168, %swap3A_169], %gather3A_167 {strides = array<i32>} : memref<192x128xf32, #tpu.memory_space<vmem>>, vector<16xf32>,
          %mul3A_171 = arith.constant 2 : i32
          %mul3A_172 = arith.muli %mul3A_171, %add3A_110 : i32
          %add3A_173 = arith.constant 1 : i32
          %add3A_174 = arith.addi %mul3A_172, %add3A_173 : i32
          %broadcast_in_dim3A_175 = vector.broadcast %add3A_174 : i32 to vector<16xi32>
          %gather3A_176 = tpu.vector_load_idx %arg5[%add3A_16, %broadcast_in_dim3A_175] : memref<64x385xf32, #tpu.memory_space<vmem>>[vector<16xi32>, vector<16xi32>], vector<16xf32>,
          %swap3A_177 = arith.index_cast %add3A_110 : i32 to index
          %swap3A_178 = arith.constant 112 : index
          %swap3A_179 = tpu.vector_load %arg7[%swap3A_177, %swap3A_178] {strides = array<i32>} : memref<192x128xf32, #tpu.memory_space<vmem>>, vector<16xf32>,
          tpu.vector_store %arg7[%swap3A_177, %swap3A_178], %gather3A_176 {strides = array<i32>} : memref<192x128xf32, #tpu.memory_space<vmem>>, vector<16xf32>,
          %mul3A_180 = arith.constant 2 : i32
          %mul3A_181 = arith.muli %scan3A_106, %mul3A_180 : i32
          %add3A_182 = arith.constant 1 : i32
          %add3A_183 = arith.addi %mul3A_181, %add3A_182 : i32
          %mul3A_184 = arith.constant 2 : i32
          %mul3A_185 = arith.muli %mul3A_184, %add3A_183 : i32
          %add3A_186 = arith.constant 0 : i32
          %add3A_187 = arith.addi %mul3A_185, %add3A_186 : i32
          %broadcast_in_dim3A_188 = vector.broadcast %add3A_187 : i32 to vector<16xi32>
          %gather3A_189 = tpu.vector_load_idx %arg5[%add3A_7, %broadcast_in_dim3A_188] : memref<64x385xf32, #tpu.memory_space<vmem>>[vector<16xi32>, vector<16xi32>], vector<16xf32>,
          %swap3A_190 = arith.index_cast %add3A_183 : i32 to index
          %swap3A_191 = arith.constant 0 : index
          %swap3A_192 = tpu.vector_load %arg7[%swap3A_190, %swap3A_191] {strides = array<i32>} : memref<192x128xf32, #tpu.memory_space<vmem>>, vector<16xf32>,
          tpu.vector_store %arg7[%swap3A_190, %swap3A_191], %gather3A_189 {strides = array<i32>} : memref<192x128xf32, #tpu.memory_space<vmem>>, vector<16xf32>,
          %mul3A_193 = arith.constant 2 : i32
          %mul3A_194 = arith.muli %mul3A_193, %add3A_183 : i32
          %add3A_195 = arith.constant 0 : i32
          %add3A_196 = arith.addi %mul3A_194, %add3A_195 : i32
          %broadcast_in_dim3A_197 = vector.broadcast %add3A_196 : i32 to vector<16xi32>
          %gather3A_198 = tpu.vector_load_idx %arg5[%add3A_10, %broadcast_in_dim3A_197] : memref<64x385xf32, #tpu.memory_space<vmem>>[vector<16xi32>, vector<16xi32>], vector<16xf32>,
          %swap3A_199 = arith.index_cast %add3A_183 : i32 to index
          %swap3A_200 = arith.constant 16 : index
          %swap3A_201 = tpu.vector_load %arg7[%swap3A_199, %swap3A_200] {strides = array<i32>} : memref<192x128xf32, #tpu.memory_space<vmem>>, vector<16xf32>,
          tpu.vector_store %arg7[%swap3A_199, %swap3A_200], %gather3A_198 {strides = array<i32>} : memref<192x128xf32, #tpu.memory_space<vmem>>, vector<16xf32>,
          %mul3A_202 = arith.constant 2 : i32
          %mul3A_203 = arith.muli %mul3A_202, %add3A_183 : i32
          %add3A_204 = arith.constant 0 : i32
          %add3A_205 = arith.addi %mul3A_203, %add3A_204 : i32
          %broadcast_in_dim3A_206 = vector.broadcast %add3A_205 : i32 to vector<16xi32>
          %gather3A_207 = tpu.vector_load_idx %arg5[%add3A_13, %broadcast_in_dim3A_206] : memref<64x385xf32, #tpu.memory_space<vmem>>[vector<16xi32>, vector<16xi32>], vector<16xf32>,
          %swap3A_208 = arith.index_cast %add3A_183 : i32 to index
          %swap3A_209 = arith.constant 32 : index
          %swap3A_210 = tpu.vector_load %arg7[%swap3A_208, %swap3A_209] {strides = array<i32>} : memref<192x128xf32, #tpu.memory_space<vmem>>, vector<16xf32>,
          tpu.vector_store %arg7[%swap3A_208, %swap3A_209], %gather3A_207 {strides = array<i32>} : memref<192x128xf32, #tpu.memory_space<vmem>>, vector<16xf32>,
          %mul3A_211 = arith.constant 2 : i32
          %mul3A_212 = arith.muli %mul3A_211, %add3A_183 : i32
          %add3A_213 = arith.constant 0 : i32
          %add3A_214 = arith.addi %mul3A_212, %add3A_213 : i32
          %broadcast_in_dim3A_215 = vector.broadcast %add3A_214 : i32 to vector<16xi32>
          %gather3A_216 = tpu.vector_load_idx %arg5[%add3A_16, %broadcast_in_dim3A_215] : memref<64x385xf32, #tpu.memory_space<vmem>>[vector<16xi32>, vector<16xi32>], vector<16xf32>,
          %swap3A_217 = arith.index_cast %add3A_183 : i32 to index
          %swap3A_218 = arith.constant 48 : index
          %swap3A_219 = tpu.vector_load %arg7[%swap3A_217, %swap3A_218] {strides = array<i32>} : memref<192x128xf32, #tpu.memory_space<vmem>>, vector<16xf32>,
          tpu.vector_store %arg7[%swap3A_217, %swap3A_218], %gather3A_216 {strides = array<i32>} : memref<192x128xf32, #tpu.memory_space<vmem>>, vector<16xf32>,
          %mul3A_220 = arith.constant 2 : i32
          %mul3A_221 = arith.muli %mul3A_220, %add3A_183 : i32
          %add3A_222 = arith.constant 1 : i32
          %add3A_223 = arith.addi %mul3A_221, %add3A_222 : i32
          %broadcast_in_dim3A_224 = vector.broadcast %add3A_223 : i32 to vector<16xi32>
          %gather3A_225 = tpu.vector_load_idx %arg5[%add3A_7, %broadcast_in_dim3A_224] : memref<64x385xf32, #tpu.memory_space<vmem>>[vector<16xi32>, vector<16xi32>], vector<16xf32>,
          %swap3A_226 = arith.index_cast %add3A_183 : i32 to index
          %swap3A_227 = arith.constant 64 : index
          %swap3A_228 = tpu.vector_load %arg7[%swap3A_226, %swap3A_227] {strides = array<i32>} : memref<192x128xf32, #tpu.memory_space<vmem>>, vector<16xf32>,
          tpu.vector_store %arg7[%swap3A_226, %swap3A_227], %gather3A_225 {strides = array<i32>} : memref<192x128xf32, #tpu.memory_space<vmem>>, vector<16xf32>,
          %mul3A_229 = arith.constant 2 : i32
          %mul3A_230 = arith.muli %mul3A_229, %add3A_183 : i32
          %add3A_231 = arith.constant 1 : i32
          %add3A_232 = arith.addi %mul3A_230, %add3A_231 : i32
          %broadcast_in_dim3A_233 = vector.broadcast %add3A_232 : i32 to vector<16xi32>
          %gather3A_234 = tpu.vector_load_idx %arg5[%add3A_10, %broadcast_in_dim3A_233] : memref<64x385xf32, #tpu.memory_space<vmem>>[vector<16xi32>, vector<16xi32>], vector<16xf32>,
          %swap3A_235 = arith.index_cast %add3A_183 : i32 to index
          %swap3A_236 = arith.constant 80 : index
          %swap3A_237 = tpu.vector_load %arg7[%swap3A_235, %swap3A_236] {strides = array<i32>} : memref<192x128xf32, #tpu.memory_space<vmem>>, vector<16xf32>,
          tpu.vector_store %arg7[%swap3A_235, %swap3A_236], %gather3A_234 {strides = array<i32>} : memref<192x128xf32, #tpu.memory_space<vmem>>, vector<16xf32>,
          %mul3A_238 = arith.constant 2 : i32
          %mul3A_239 = arith.muli %mul3A_238, %add3A_183 : i32
          %add3A_240 = arith.constant 1 : i32
          %add3A_241 = arith.addi %mul3A_239, %add3A_240 : i32
          %broadcast_in_dim3A_242 = vector.broadcast %add3A_241 : i32 to vector<16xi32>
          %gather3A_243 = tpu.vector_load_idx %arg5[%add3A_13, %broadcast_in_dim3A_242] : memref<64x385xf32, #tpu.memory_space<vmem>>[vector<16xi32>, vector<16xi32>], vector<16xf32>,
          %swap3A_244 = arith.index_cast %add3A_183 : i32 to index
          %swap3A_245 = arith.constant 96 : index
          %swap3A_246 = tpu.vector_load %arg7[%swap3A_244, %swap3A_245] {strides = array<i32>} : memref<192x128xf32, #tpu.memory_space<vmem>>, vector<16xf32>,
          tpu.vector_store %arg7[%swap3A_244, %swap3A_245], %gather3A_243 {strides = array<i32>} : memref<192x128xf32, #tpu.memory_space<vmem>>, vector<16xf32>,
          %mul3A_247 = arith.constant 2 : i32
          %mul3A_248 = arith.muli %mul3A_247, %add3A_183 : i32
          %add3A_249 = arith.constant 1 : i32
          %add3A_250 = arith.addi %mul3A_248, %add3A_249 : i32
          %broadcast_in_dim3A_251 = vector.broadcast %add3A_250 : i32 to vector<16xi32>
          %gather3A_252 = tpu.vector_load_idx %arg5[%add3A_16, %broadcast_in_dim3A_251] : memref<64x385xf32, #tpu.memory_space<vmem>>[vector<16xi32>, vector<16xi32>], vector<16xf32>,
          %swap3A_253 = arith.index_cast %add3A_183 : i32 to index
          %swap3A_254 = arith.constant 112 : index
          %swap3A_255 = tpu.vector_load %arg7[%swap3A_253, %swap3A_254] {strides = array<i32>} : memref<192x128xf32, #tpu.memory_space<vmem>>, vector<16xf32>,
          tpu.vector_store %arg7[%swap3A_253, %swap3A_254], %gather3A_252 {strides = array<i32>} : memref<192x128xf32, #tpu.memory_space<vmem>>, vector<16xf32>,
        }
        %scan3A_97 = arith.constant 96 : i32
        %mul3A_98 = arith.constant 32 : i32
        %mul3A_99 = arith.muli %add3A_67, %mul3A_98 : i32
        %add3A_100 = arith.addi %add3A, %mul3A_99 : i32
        %mul3A_101 = arith.constant 192 : i32
        %mul3A_102 = arith.muli %add3A_100, %mul3A_101 : i32
        %multiple_of3A = tpu.assume_multiple %mul3A_102, 8 : i32
        %dma_start3A = arith.constant 0 : i32
        %dma_start3A_103 = tpu.memref_slice %arg4[%multiple_of3A, %dma_start3A] : memref<500032x128xf32, #tpu.memory_space<hbm>> -> memref<192x128xf32, #tpu.memory_space<hbm>>
        %dma_start3A_104 = arith.constant 0 : i32
        %dma_start3A_105 = tpu.memref_slice %arg4[%multiple_of3A, %dma_start3A_104] : memref<500032x128xf32, #tpu.memory_space<hbm>> -> memref<192x128xf32, #tpu.memory_space<hbm>>
        tpu.enqueue_dma source(%arg7 : memref<192x128xf32, #tpu.memory_space<vmem>>) target(%dma_start3A_105 : memref<192x128xf32, #tpu.memory_space<hbm>>) target_semaphore(%arg11 : memref<!tpu.dma_semaphore, #tpu.memory_space<semaphore_mem>>)
      } else {
      }
      %mul3A_72 = arith.constant 2 : i32
      %mul3A_73 = arith.muli %scan3A_35, %mul3A_72 : i32
      %add3A_74 = arith.constant 1 : i32
      %add3A_75 = arith.addi %mul3A_73, %add3A_74 : i32
      %lt3A_76 = arith.cmpi slt, %add3A_75, %add3A_4 : i32
      %convert_element_type3A_77 = arith.extui %lt3A_76 : i1 to i32
      %cond3A_78 = arith.constant 0 : i32
      %cond3A_79 = arith.cmpi ne, %convert_element_type3A_77, %cond3A_78 : i32
      scf.if %cond3A_79 {
        %dma_wait3A_80 = arith.constant 0 : i32
        %dma_wait3A_81 = arith.constant 0 : i32
        %dma_wait3A_82 = tpu.memref_slice %arg6[%dma_wait3A_80, %dma_wait3A_81] : memref<64x385xf32, #tpu.memory_space<vmem>> -> memref<64x384xf32, #tpu.memory_space<vmem>>
        %dma_wait3A_83 = arith.constant 0 : i32
        %dma_wait3A_84 = arith.constant 0 : i32
        %dma_wait3A_85 = tpu.memref_slice %arg2[%dma_wait3A_83, %dma_wait3A_84] : memref<64x1000000xf32, #tpu.memory_space<hbm>> -> memref<64x384xf32, #tpu.memory_space<hbm>>
        %dma_wait3A_86 = arith.constant 0 : i32
        %dma_wait3A_87 = arith.constant 0 : i32
        %dma_wait3A_88 = tpu.memref_slice %arg6[%dma_wait3A_86, %dma_wait3A_87] : memref<64x385xf32, #tpu.memory_space<vmem>> -> memref<64x384xf32, #tpu.memory_space<vmem>>
        %dma_wait3A_89 = arith.constant 0 : i32
        %dma_wait3A_90 = arith.constant 0 : i32
        %dma_wait3A_91 = tpu.memref_slice %arg2[%dma_wait3A_89, %dma_wait3A_90] : memref<64x1000000xf32, #tpu.memory_space<hbm>> -> memref<64x384xf32, #tpu.memory_space<hbm>>
        tpu.wait_dma2 semaphore(%arg10 : memref<!tpu.dma_semaphore, #tpu.memory_space<semaphore_mem>>) src(%dma_wait3A_91 : memref<64x384xf32, #tpu.memory_space<hbm>>) dst(%dma_wait3A_88 : memref<64x384xf32, #tpu.memory_space<vmem>>)
        %scan3A_92 = arith.constant 0 : i32
        %scan3A_93 = arith.constant 0 : i32
        %scan3A_94 = arith.constant 96 : i32
        %scan3A_95 = arith.addi %scan3A_93, %scan3A_94 : i32
        %scan3A_96 = arith.constant 1 : i32
        scf.for %scan3A_106 = %scan3A_93 to %scan3A_95 step %scan3A_96  : i32 {
          %mul3A_107 = arith.constant 2 : i32
          %mul3A_108 = arith.muli %scan3A_106, %mul3A_107 : i32
          %add3A_109 = arith.constant 0 : i32
          %add3A_110 = arith.addi %mul3A_108, %add3A_109 : i32
          %mul3A_111 = arith.constant 2 : i32
          %mul3A_112 = arith.muli %mul3A_111, %add3A_110 : i32
          %add3A_113 = arith.constant 0 : i32
          %add3A_114 = arith.addi %mul3A_112, %add3A_113 : i32
          %broadcast_in_dim3A = vector.broadcast %add3A_114 : i32 to vector<16xi32>
          %gather3A = tpu.vector_load_idx %arg6[%add3A_7, %broadcast_in_dim3A] : memref<64x385xf32, #tpu.memory_space<vmem>>[vector<16xi32>, vector<16xi32>], vector<16xf32>,
          %swap3A = arith.index_cast %add3A_110 : i32 to index
          %swap3A_115 = arith.constant 0 : index
          %swap3A_116 = tpu.vector_load %arg8[%swap3A, %swap3A_115] {strides = array<i32>} : memref<192x128xf32, #tpu.memory_space<vmem>>, vector<16xf32>,
          tpu.vector_store %arg8[%swap3A, %swap3A_115], %gather3A {strides = array<i32>} : memref<192x128xf32, #tpu.memory_space<vmem>>, vector<16xf32>,
          %mul3A_117 = arith.constant 2 : i32
          %mul3A_118 = arith.muli %mul3A_117, %add3A_110 : i32
          %add3A_119 = arith.constant 0 : i32
          %add3A_120 = arith.addi %mul3A_118, %add3A_119 : i32
          %broadcast_in_dim3A_121 = vector.broadcast %add3A_120 : i32 to vector<16xi32>
          %gather3A_122 = tpu.vector_load_idx %arg6[%add3A_10, %broadcast_in_dim3A_121] : memref<64x385xf32, #tpu.memory_space<vmem>>[vector<16xi32>, vector<16xi32>], vector<16xf32>,
          %swap3A_123 = arith.index_cast %add3A_110 : i32 to index
          %swap3A_124 = arith.constant 16 : index
          %swap3A_125 = tpu.vector_load %arg8[%swap3A_123, %swap3A_124] {strides = array<i32>} : memref<192x128xf32, #tpu.memory_space<vmem>>, vector<16xf32>,
          tpu.vector_store %arg8[%swap3A_123, %swap3A_124], %gather3A_122 {strides = array<i32>} : memref<192x128xf32, #tpu.memory_space<vmem>>, vector<16xf32>,
          %mul3A_126 = arith.constant 2 : i32
          %mul3A_127 = arith.muli %mul3A_126, %add3A_110 : i32
          %add3A_128 = arith.constant 0 : i32
          %add3A_129 = arith.addi %mul3A_127, %add3A_128 : i32
          %broadcast_in_dim3A_130 = vector.broadcast %add3A_129 : i32 to vector<16xi32>
          %gather3A_131 = tpu.vector_load_idx %arg6[%add3A_13, %broadcast_in_dim3A_130] : memref<64x385xf32, #tpu.memory_space<vmem>>[vector<16xi32>, vector<16xi32>], vector<16xf32>,
          %swap3A_132 = arith.index_cast %add3A_110 : i32 to index
          %swap3A_133 = arith.constant 32 : index
          %swap3A_134 = tpu.vector_load %arg8[%swap3A_132, %swap3A_133] {strides = array<i32>} : memref<192x128xf32, #tpu.memory_space<vmem>>, vector<16xf32>,
          tpu.vector_store %arg8[%swap3A_132, %swap3A_133], %gather3A_131 {strides = array<i32>} : memref<192x128xf32, #tpu.memory_space<vmem>>, vector<16xf32>,
          %mul3A_135 = arith.constant 2 : i32
          %mul3A_136 = arith.muli %mul3A_135, %add3A_110 : i32
          %add3A_137 = arith.constant 0 : i32
          %add3A_138 = arith.addi %mul3A_136, %add3A_137 : i32
          %broadcast_in_dim3A_139 = vector.broadcast %add3A_138 : i32 to vector<16xi32>
          %gather3A_140 = tpu.vector_load_idx %arg6[%add3A_16, %broadcast_in_dim3A_139] : memref<64x385xf32, #tpu.memory_space<vmem>>[vector<16xi32>, vector<16xi32>], vector<16xf32>,
          %swap3A_141 = arith.index_cast %add3A_110 : i32 to index
          %swap3A_142 = arith.constant 48 : index
          %swap3A_143 = tpu.vector_load %arg8[%swap3A_141, %swap3A_142] {strides = array<i32>} : memref<192x128xf32, #tpu.memory_space<vmem>>, vector<16xf32>,
          tpu.vector_store %arg8[%swap3A_141, %swap3A_142], %gather3A_140 {strides = array<i32>} : memref<192x128xf32, #tpu.memory_space<vmem>>, vector<16xf32>,
          %mul3A_144 = arith.constant 2 : i32
          %mul3A_145 = arith.muli %mul3A_144, %add3A_110 : i32
          %add3A_146 = arith.constant 1 : i32
          %add3A_147 = arith.addi %mul3A_145, %add3A_146 : i32
          %broadcast_in_dim3A_148 = vector.broadcast %add3A_147 : i32 to vector<16xi32>
          %gather3A_149 = tpu.vector_load_idx %arg6[%add3A_7, %broadcast_in_dim3A_148] : memref<64x385xf32, #tpu.memory_space<vmem>>[vector<16xi32>, vector<16xi32>], vector<16xf32>,
          %swap3A_150 = arith.index_cast %add3A_110 : i32 to index
          %swap3A_151 = arith.constant 64 : index
          %swap3A_152 = tpu.vector_load %arg8[%swap3A_150, %swap3A_151] {strides = array<i32>} : memref<192x128xf32, #tpu.memory_space<vmem>>, vector<16xf32>,
          tpu.vector_store %arg8[%swap3A_150, %swap3A_151], %gather3A_149 {strides = array<i32>} : memref<192x128xf32, #tpu.memory_space<vmem>>, vector<16xf32>,
          %mul3A_153 = arith.constant 2 : i32
          %mul3A_154 = arith.muli %mul3A_153, %add3A_110 : i32
          %add3A_155 = arith.constant 1 : i32
          %add3A_156 = arith.addi %mul3A_154, %add3A_155 : i32
          %broadcast_in_dim3A_157 = vector.broadcast %add3A_156 : i32 to vector<16xi32>
          %gather3A_158 = tpu.vector_load_idx %arg6[%add3A_10, %broadcast_in_dim3A_157] : memref<64x385xf32, #tpu.memory_space<vmem>>[vector<16xi32>, vector<16xi32>], vector<16xf32>,
          %swap3A_159 = arith.index_cast %add3A_110 : i32 to index
          %swap3A_160 = arith.constant 80 : index
          %swap3A_161 = tpu.vector_load %arg8[%swap3A_159, %swap3A_160] {strides = array<i32>} : memref<192x128xf32, #tpu.memory_space<vmem>>, vector<16xf32>,
          tpu.vector_store %arg8[%swap3A_159, %swap3A_160], %gather3A_158 {strides = array<i32>} : memref<192x128xf32, #tpu.memory_space<vmem>>, vector<16xf32>,
          %mul3A_162 = arith.constant 2 : i32
          %mul3A_163 = arith.muli %mul3A_162, %add3A_110 : i32
          %add3A_164 = arith.constant 1 : i32
          %add3A_165 = arith.addi %mul3A_163, %add3A_164 : i32
          %broadcast_in_dim3A_166 = vector.broadcast %add3A_165 : i32 to vector<16xi32>
          %gather3A_167 = tpu.vector_load_idx %arg6[%add3A_13, %broadcast_in_dim3A_166] : memref<64x385xf32, #tpu.memory_space<vmem>>[vector<16xi32>, vector<16xi32>], vector<16xf32>,
          %swap3A_168 = arith.index_cast %add3A_110 : i32 to index
          %swap3A_169 = arith.constant 96 : index
          %swap3A_170 = tpu.vector_load %arg8[%swap3A_168, %swap3A_169] {strides = array<i32>} : memref<192x128xf32, #tpu.memory_space<vmem>>, vector<16xf32>,
          tpu.vector_store %arg8[%swap3A_168, %swap3A_169], %gather3A_167 {strides = array<i32>} : memref<192x128xf32, #tpu.memory_space<vmem>>, vector<16xf32>,
          %mul3A_171 = arith.constant 2 : i32
          %mul3A_172 = arith.muli %mul3A_171, %add3A_110 : i32
          %add3A_173 = arith.constant 1 : i32
          %add3A_174 = arith.addi %mul3A_172, %add3A_173 : i32
          %broadcast_in_dim3A_175 = vector.broadcast %add3A_174 : i32 to vector<16xi32>
          %gather3A_176 = tpu.vector_load_idx %arg6[%add3A_16, %broadcast_in_dim3A_175] : memref<64x385xf32, #tpu.memory_space<vmem>>[vector<16xi32>, vector<16xi32>], vector<16xf32>,
          %swap3A_177 = arith.index_cast %add3A_110 : i32 to index
          %swap3A_178 = arith.constant 112 : index
          %swap3A_179 = tpu.vector_load %arg8[%swap3A_177, %swap3A_178] {strides = array<i32>} : memref<192x128xf32, #tpu.memory_space<vmem>>, vector<16xf32>,
          tpu.vector_store %arg8[%swap3A_177, %swap3A_178], %gather3A_176 {strides = array<i32>} : memref<192x128xf32, #tpu.memory_space<vmem>>, vector<16xf32>,
          %mul3A_180 = arith.constant 2 : i32
          %mul3A_181 = arith.muli %scan3A_106, %mul3A_180 : i32
          %add3A_182 = arith.constant 1 : i32
          %add3A_183 = arith.addi %mul3A_181, %add3A_182 : i32
          %mul3A_184 = arith.constant 2 : i32
          %mul3A_185 = arith.muli %mul3A_184, %add3A_183 : i32
          %add3A_186 = arith.constant 0 : i32
          %add3A_187 = arith.addi %mul3A_185, %add3A_186 : i32
          %broadcast_in_dim3A_188 = vector.broadcast %add3A_187 : i32 to vector<16xi32>
          %gather3A_189 = tpu.vector_load_idx %arg6[%add3A_7, %broadcast_in_dim3A_188] : memref<64x385xf32, #tpu.memory_space<vmem>>[vector<16xi32>, vector<16xi32>], vector<16xf32>,
          %swap3A_190 = arith.index_cast %add3A_183 : i32 to index
          %swap3A_191 = arith.constant 0 : index
          %swap3A_192 = tpu.vector_load %arg8[%swap3A_190, %swap3A_191] {strides = array<i32>} : memref<192x128xf32, #tpu.memory_space<vmem>>, vector<16xf32>,
          tpu.vector_store %arg8[%swap3A_190, %swap3A_191], %gather3A_189 {strides = array<i32>} : memref<192x128xf32, #tpu.memory_space<vmem>>, vector<16xf32>,
          %mul3A_193 = arith.constant 2 : i32
          %mul3A_194 = arith.muli %mul3A_193, %add3A_183 : i32
          %add3A_195 = arith.constant 0 : i32
          %add3A_196 = arith.addi %mul3A_194, %add3A_195 : i32
          %broadcast_in_dim3A_197 = vector.broadcast %add3A_196 : i32 to vector<16xi32>
          %gather3A_198 = tpu.vector_load_idx %arg6[%add3A_10, %broadcast_in_dim3A_197] : memref<64x385xf32, #tpu.memory_space<vmem>>[vector<16xi32>, vector<16xi32>], vector<16xf32>,
          %swap3A_199 = arith.index_cast %add3A_183 : i32 to index
          %swap3A_200 = arith.constant 16 : index
          %swap3A_201 = tpu.vector_load %arg8[%swap3A_199, %swap3A_200] {strides = array<i32>} : memref<192x128xf32, #tpu.memory_space<vmem>>, vector<16xf32>,
          tpu.vector_store %arg8[%swap3A_199, %swap3A_200], %gather3A_198 {strides = array<i32>} : memref<192x128xf32, #tpu.memory_space<vmem>>, vector<16xf32>,
          %mul3A_202 = arith.constant 2 : i32
          %mul3A_203 = arith.muli %mul3A_202, %add3A_183 : i32
          %add3A_204 = arith.constant 0 : i32
          %add3A_205 = arith.addi %mul3A_203, %add3A_204 : i32
          %broadcast_in_dim3A_206 = vector.broadcast %add3A_205 : i32 to vector<16xi32>
          %gather3A_207 = tpu.vector_load_idx %arg6[%add3A_13, %broadcast_in_dim3A_206] : memref<64x385xf32, #tpu.memory_space<vmem>>[vector<16xi32>, vector<16xi32>], vector<16xf32>,
          %swap3A_208 = arith.index_cast %add3A_183 : i32 to index
          %swap3A_209 = arith.constant 32 : index
          %swap3A_210 = tpu.vector_load %arg8[%swap3A_208, %swap3A_209] {strides = array<i32>} : memref<192x128xf32, #tpu.memory_space<vmem>>, vector<16xf32>,
          tpu.vector_store %arg8[%swap3A_208, %swap3A_209], %gather3A_207 {strides = array<i32>} : memref<192x128xf32, #tpu.memory_space<vmem>>, vector<16xf32>,
          %mul3A_211 = arith.constant 2 : i32
          %mul3A_212 = arith.muli %mul3A_211, %add3A_183 : i32
          %add3A_213 = arith.constant 0 : i32
          %add3A_214 = arith.addi %mul3A_212, %add3A_213 : i32
          %broadcast_in_dim3A_215 = vector.broadcast %add3A_214 : i32 to vector<16xi32>
          %gather3A_216 = tpu.vector_load_idx %arg6[%add3A_16, %broadcast_in_dim3A_215] : memref<64x385xf32, #tpu.memory_space<vmem>>[vector<16xi32>, vector<16xi32>], vector<16xf32>,
          %swap3A_217 = arith.index_cast %add3A_183 : i32 to index
          %swap3A_218 = arith.constant 48 : index
          %swap3A_219 = tpu.vector_load %arg8[%swap3A_217, %swap3A_218] {strides = array<i32>} : memref<192x128xf32, #tpu.memory_space<vmem>>, vector<16xf32>,
          tpu.vector_store %arg8[%swap3A_217, %swap3A_218], %gather3A_216 {strides = array<i32>} : memref<192x128xf32, #tpu.memory_space<vmem>>, vector<16xf32>,
          %mul3A_220 = arith.constant 2 : i32
          %mul3A_221 = arith.muli %mul3A_220, %add3A_183 : i32
          %add3A_222 = arith.constant 1 : i32
          %add3A_223 = arith.addi %mul3A_221, %add3A_222 : i32
          %broadcast_in_dim3A_224 = vector.broadcast %add3A_223 : i32 to vector<16xi32>
          %gather3A_225 = tpu.vector_load_idx %arg6[%add3A_7, %broadcast_in_dim3A_224] : memref<64x385xf32, #tpu.memory_space<vmem>>[vector<16xi32>, vector<16xi32>], vector<16xf32>,
          %swap3A_226 = arith.index_cast %add3A_183 : i32 to index
          %swap3A_227 = arith.constant 64 : index
          %swap3A_228 = tpu.vector_load %arg8[%swap3A_226, %swap3A_227] {strides = array<i32>} : memref<192x128xf32, #tpu.memory_space<vmem>>, vector<16xf32>,
          tpu.vector_store %arg8[%swap3A_226, %swap3A_227], %gather3A_225 {strides = array<i32>} : memref<192x128xf32, #tpu.memory_space<vmem>>, vector<16xf32>,
          %mul3A_229 = arith.constant 2 : i32
          %mul3A_230 = arith.muli %mul3A_229, %add3A_183 : i32
          %add3A_231 = arith.constant 1 : i32
          %add3A_232 = arith.addi %mul3A_230, %add3A_231 : i32
          %broadcast_in_dim3A_233 = vector.broadcast %add3A_232 : i32 to vector<16xi32>
          %gather3A_234 = tpu.vector_load_idx %arg6[%add3A_10, %broadcast_in_dim3A_233] : memref<64x385xf32, #tpu.memory_space<vmem>>[vector<16xi32>, vector<16xi32>], vector<16xf32>,
          %swap3A_235 = arith.index_cast %add3A_183 : i32 to index
          %swap3A_236 = arith.constant 80 : index
          %swap3A_237 = tpu.vector_load %arg8[%swap3A_235, %swap3A_236] {strides = array<i32>} : memref<192x128xf32, #tpu.memory_space<vmem>>, vector<16xf32>,
          tpu.vector_store %arg8[%swap3A_235, %swap3A_236], %gather3A_234 {strides = array<i32>} : memref<192x128xf32, #tpu.memory_space<vmem>>, vector<16xf32>,
          %mul3A_238 = arith.constant 2 : i32
          %mul3A_239 = arith.muli %mul3A_238, %add3A_183 : i32
          %add3A_240 = arith.constant 1 : i32
          %add3A_241 = arith.addi %mul3A_239, %add3A_240 : i32
          %broadcast_in_dim3A_242 = vector.broadcast %add3A_241 : i32 to vector<16xi32>
          %gather3A_243 = tpu.vector_load_idx %arg6[%add3A_13, %broadcast_in_dim3A_242] : memref<64x385xf32, #tpu.memory_space<vmem>>[vector<16xi32>, vector<16xi32>], vector<16xf32>,
          %swap3A_244 = arith.index_cast %add3A_183 : i32 to index
          %swap3A_245 = arith.constant 96 : index
          %swap3A_246 = tpu.vector_load %arg8[%swap3A_244, %swap3A_245] {strides = array<i32>} : memref<192x128xf32, #tpu.memory_space<vmem>>, vector<16xf32>,
          tpu.vector_store %arg8[%swap3A_244, %swap3A_245], %gather3A_243 {strides = array<i32>} : memref<192x128xf32, #tpu.memory_space<vmem>>, vector<16xf32>,
          %mul3A_247 = arith.constant 2 : i32
          %mul3A_248 = arith.muli %mul3A_247, %add3A_183 : i32
          %add3A_249 = arith.constant 1 : i32
          %add3A_250 = arith.addi %mul3A_248, %add3A_249 : i32
          %broadcast_in_dim3A_251 = vector.broadcast %add3A_250 : i32 to vector<16xi32>
          %gather3A_252 = tpu.vector_load_idx %arg6[%add3A_16, %broadcast_in_dim3A_251] : memref<64x385xf32, #tpu.memory_space<vmem>>[vector<16xi32>, vector<16xi32>], vector<16xf32>,
          %swap3A_253 = arith.index_cast %add3A_183 : i32 to index
          %swap3A_254 = arith.constant 112 : index
          %swap3A_255 = tpu.vector_load %arg8[%swap3A_253, %swap3A_254] {strides = array<i32>} : memref<192x128xf32, #tpu.memory_space<vmem>>, vector<16xf32>,
          tpu.vector_store %arg8[%swap3A_253, %swap3A_254], %gather3A_252 {strides = array<i32>} : memref<192x128xf32, #tpu.memory_space<vmem>>, vector<16xf32>,
        }
        %scan3A_97 = arith.constant 96 : i32
        %mul3A_98 = arith.constant 32 : i32
        %mul3A_99 = arith.muli %add3A_75, %mul3A_98 : i32
        %add3A_100 = arith.addi %add3A, %mul3A_99 : i32
        %mul3A_101 = arith.constant 192 : i32
        %mul3A_102 = arith.muli %add3A_100, %mul3A_101 : i32
        %multiple_of3A = tpu.assume_multiple %mul3A_102, 8 : i32
        %dma_start3A = arith.constant 0 : i32
        %dma_start3A_103 = tpu.memref_slice %arg4[%multiple_of3A, %dma_start3A] : memref<500032x128xf32, #tpu.memory_space<hbm>> -> memref<192x128xf32, #tpu.memory_space<hbm>>
        %dma_start3A_104 = arith.constant 0 : i32
        %dma_start3A_105 = tpu.memref_slice %arg4[%multiple_of3A, %dma_start3A_104] : memref<500032x128xf32, #tpu.memory_space<hbm>> -> memref<192x128xf32, #tpu.memory_space<hbm>>
        tpu.enqueue_dma source(%arg8 : memref<192x128xf32, #tpu.memory_space<vmem>>) target(%dma_start3A_105 : memref<192x128xf32, #tpu.memory_space<hbm>>) target_semaphore(%arg12 : memref<!tpu.dma_semaphore, #tpu.memory_space<semaphore_mem>>)
      } else {
      }
    }
    %scan3A_21 = arith.constant 41 : i32
    %dma_wait3A = arith.constant 0 : i32
    %dma_wait3A_22 = arith.constant 0 : i32
    %dma_wait3A_23 = tpu.memref_slice %arg4[%dma_wait3A, %dma_wait3A_22] : memref<500032x128xf32, #tpu.memory_space<hbm>> -> memref<192x128xf32, #tpu.memory_space<hbm>>
    %dma_wait3A_24 = arith.constant 0 : i32
    %dma_wait3A_25 = arith.constant 0 : i32
    %dma_wait3A_26 = tpu.memref_slice %arg4[%dma_wait3A_24, %dma_wait3A_25] : memref<500032x128xf32, #tpu.memory_space<hbm>> -> memref<192x128xf32, #tpu.memory_space<hbm>>
    tpu.wait_dma2 semaphore(%arg11 : memref<!tpu.dma_semaphore, #tpu.memory_space<semaphore_mem>>) src(%arg7 : memref<192x128xf32, #tpu.memory_space<vmem>>) dst(%dma_wait3A_26 : memref<192x128xf32, #tpu.memory_space<hbm>>)
    %dma_wait3A_27 = arith.constant 0 : i32
    %dma_wait3A_28 = arith.constant 0 : i32
    %dma_wait3A_29 = tpu.memref_slice %arg4[%dma_wait3A_27, %dma_wait3A_28] : memref<500032x128xf32, #tpu.memory_space<hbm>> -> memref<192x128xf32, #tpu.memory_space<hbm>>
    %dma_wait3A_30 = arith.constant 0 : i32
    %dma_wait3A_31 = arith.constant 0 : i32
    %dma_wait3A_32 = tpu.memref_slice %arg4[%dma_wait3A_30, %dma_wait3A_31] : memref<500032x128xf32, #tpu.memory_space<hbm>> -> memref<192x128xf32, #tpu.memory_space<hbm>>
    tpu.wait_dma2 semaphore(%arg12 : memref<!tpu.dma_semaphore, #tpu.memory_space<semaphore_mem>>) src(%arg8 : memref<192x128xf32, #tpu.memory_space<vmem>>) dst(%dma_wait3A_32 : memref<192x128xf32, #tpu.memory_space<hbm>>)
    %eq3A = arith.constant 31 : i32
    %eq3A_33 = arith.cmpi eq, %add3A, %eq3A : i32
    %convert_element_type3A = arith.extui %eq3A_33 : i1 to i32
    %cond3A = arith.constant 0 : i32
    %cond3A_34 = arith.cmpi ne, %convert_element_type3A, %cond3A : i32
    scf.if %cond3A_34 {
      %dma_start3A = arith.constant 0 : i32
      %dma_start3A_35 = arith.constant 0 : i32
      %dma_start3A_36 = tpu.memref_slice %arg7[%dma_start3A, %dma_start3A_35] : memref<192x128xf32, #tpu.memory_space<vmem>> -> memref<32x128xf32, #tpu.memory_space<vmem>>
      %dma_start3A_37 = arith.constant 0 : i32
      %dma_start3A_38 = arith.constant 0 : i32
      %dma_start3A_39 = tpu.memref_slice %arg7[%dma_start3A_37, %dma_start3A_38] : memref<192x128xf32, #tpu.memory_space<vmem>> -> memref<32x128xf32, #tpu.memory_space<vmem>>
      tpu.enqueue_dma source(%arg3 : memref<32x128xf32, #tpu.memory_space<hbm>>) target(%dma_start3A_39 : memref<32x128xf32, #tpu.memory_space<vmem>>) target_semaphore(%arg9 : memref<!tpu.dma_semaphore, #tpu.memory_space<semaphore_mem>>)
      %dma_wait3A_40 = arith.constant 0 : i32
      %dma_wait3A_41 = arith.constant 0 : i32
      %dma_wait3A_42 = tpu.memref_slice %arg7[%dma_wait3A_40, %dma_wait3A_41] : memref<192x128xf32, #tpu.memory_space<vmem>> -> memref<32x128xf32, #tpu.memory_space<vmem>>
      %dma_wait3A_43 = arith.constant 0 : i32
      %dma_wait3A_44 = arith.constant 0 : i32
      %dma_wait3A_45 = tpu.memref_slice %arg7[%dma_wait3A_43, %dma_wait3A_44] : memref<192x128xf32, #tpu.memory_space<vmem>> -> memref<32x128xf32, #tpu.memory_space<vmem>>
      tpu.wait_dma2 semaphore(%arg9 : memref<!tpu.dma_semaphore, #tpu.memory_space<semaphore_mem>>) src(%arg3 : memref<32x128xf32, #tpu.memory_space<hbm>>) dst(%dma_wait3A_45 : memref<32x128xf32, #tpu.memory_space<vmem>>)
      %dma_start3A_46 = arith.constant 0 : i32
      %dma_start3A_47 = arith.constant 0 : i32
      %dma_start3A_48 = tpu.memref_slice %arg7[%dma_start3A_46, %dma_start3A_47] : memref<192x128xf32, #tpu.memory_space<vmem>> -> memref<32x128xf32, #tpu.memory_space<vmem>>
      %dma_start3A_49 = arith.constant 499968 : i32
      %dma_start3A_50 = arith.constant 0 : i32
      %dma_start3A_51 = tpu.memref_slice %arg4[%dma_start3A_49, %dma_start3A_50] : memref<500032x128xf32, #tpu.memory_space<hbm>> -> memref<32x128xf32, #tpu.memory_space<hbm>>
      %dma_start3A_52 = arith.constant 499968 : i32
      %dma_start3A_53 = arith.constant 0 : i32
      %dma_start3A_54 = tpu.memref_slice %arg4[%dma_start3A_52, %dma_start3A_53] : memref<500032x128xf32, #tpu.memory_space<hbm>> -> memref<32x128xf32, #tpu.memory_space<hbm>>
      %dma_start3A_55 = arith.constant 0 : i32
      %dma_start3A_56 = arith.constant 0 : i32
      %dma_start3A_57 = tpu.memref_slice %arg7[%dma_start3A_55, %dma_start3A_56] : memref<192x128xf32, #tpu.memory_space<vmem>> -> memref<32x128xf32, #tpu.memory_space<vmem>>
      tpu.enqueue_dma source(%dma_start3A_57 : memref<32x128xf32, #tpu.memory_space<vmem>>) target(%dma_start3A_54 : memref<32x128xf32, #tpu.memory_space<hbm>>) target_semaphore(%arg11 : memref<!tpu.dma_semaphore, #tpu.memory_space<semaphore_mem>>)
      %dma_wait3A_58 = arith.constant 0 : i32
      %dma_wait3A_59 = arith.constant 0 : i32
      %dma_wait3A_60 = tpu.memref_slice %arg7[%dma_wait3A_58, %dma_wait3A_59] : memref<192x128xf32, #tpu.memory_space<vmem>> -> memref<32x128xf32, #tpu.memory_space<vmem>>
      %dma_wait3A_61 = arith.constant 499968 : i32
      %dma_wait3A_62 = arith.constant 0 : i32
      %dma_wait3A_63 = tpu.memref_slice %arg4[%dma_wait3A_61, %dma_wait3A_62] : memref<500032x128xf32, #tpu.memory_space<hbm>> -> memref<32x128xf32, #tpu.memory_space<hbm>>
      %dma_wait3A_64 = arith.constant 499968 : i32
      %dma_wait3A_65 = arith.constant 0 : i32
      %dma_wait3A_66 = tpu.memref_slice %arg4[%dma_wait3A_64, %dma_wait3A_65] : memref<500032x128xf32, #tpu.memory_space<hbm>> -> memref<32x128xf32, #tpu.memory_space<hbm>>
      %dma_wait3A_67 = arith.constant 0 : i32
      %dma_wait3A_68 = arith.constant 0 : i32
      %dma_wait3A_69 = tpu.memref_slice %arg7[%dma_wait3A_67, %dma_wait3A_68] : memref<192x128xf32, #tpu.memory_space<vmem>> -> memref<32x128xf32, #tpu.memory_space<vmem>>
      tpu.wait_dma2 semaphore(%arg11 : memref<!tpu.dma_semaphore, #tpu.memory_space<semaphore_mem>>) src(%dma_wait3A_69 : memref<32x128xf32, #tpu.memory_space<vmem>>) dst(%dma_wait3A_66 : memref<32x128xf32, #tpu.memory_space<hbm>>)
    } else {
    }
    return
  }
}

#map = affine_map<(d0, d1) -> (0, 0)>
module attributes {stable_mosaic.version = 14 : i64} {
  func.func @_sc_gather(%arg0: i32, %arg1: i32, %arg2: memref<1000064x64xf32, #tpu.memory_space<hbm>>, %arg3: memref<256x800xi32, #tpu.memory_space<hbm>>, %arg4: memref<204800x64xf32, #tpu.memory_space<hbm>>, %arg5: memref<8x800xi32, #tpu.memory_space<vmem>>, %arg6: memref<800x64xf32, #tpu.memory_space<vmem>>, %arg7: memref<800x64xf32, #tpu.memory_space<vmem>>, %arg8: memref<!tpu.dma_semaphore, #tpu.memory_space<semaphore_mem>>, %arg9: memref<!tpu.dma_semaphore, #tpu.memory_space<semaphore_mem>>, %arg10: memref<!tpu.dma_semaphore, #tpu.memory_space<semaphore_mem>>, %arg11: memref<!tpu.dma_semaphore, #tpu.memory_space<semaphore_mem>>) attributes {dimension_semantics = [#tpu.dimension_semantics<core_parallel>, #tpu.dimension_semantics<subcore_parallel>], iteration_bounds = array<i64: 2, 16>, scalar_prefetch = 0 : i64, scratch_operands = 7 : i64, tpu.core_type = #tpu.core_type<sc_vector_subcore>, window_params = [{transform_indices = #map}, {transform_indices = #map}, {transform_indices = #map}]} {
    %mul3A = arith.constant 2 : i32
    %mul3A_0 = arith.muli %arg1, %mul3A : i32
    %add3A = arith.addi %mul3A_0, %arg0 : i32
    %mul3A_1 = arith.constant 6400 : i32
    %mul3A_2 = arith.muli %add3A, %mul3A_1 : i32
    %mul3A_3 = arith.constant 8 : i32
    %mul3A_4 = arith.muli %add3A, %mul3A_3 : i32
    "tpu.region"() ({
      %run_scoped3A = tpu.sem_alloc : memref<!tpu.dma_semaphore, #tpu.memory_space<semaphore_mem>>
      %dma_start3A_195 = arith.constant 0 : i32
      %dma_start3A_196 = tpu.memref_slice %arg3[%mul3A_4, %dma_start3A_195] : memref<256x800xi32, #tpu.memory_space<hbm>> -> memref<8x800xi32, #tpu.memory_space<hbm>>
      %dma_start3A_197 = arith.constant 0 : i32
      %dma_start3A_198 = tpu.memref_slice %arg3[%mul3A_4, %dma_start3A_197] : memref<256x800xi32, #tpu.memory_space<hbm>> -> memref<8x800xi32, #tpu.memory_space<hbm>>
      tpu.enqueue_dma source(%dma_start3A_198 : memref<8x800xi32, #tpu.memory_space<hbm>>) target(%arg5 : memref<8x800xi32, #tpu.memory_space<vmem>>) target_semaphore(%run_scoped3A : memref<!tpu.dma_semaphore, #tpu.memory_space<semaphore_mem>>)
      %dma_wait3A_199 = arith.constant 0 : i32
      %dma_wait3A_200 = tpu.memref_slice %arg3[%mul3A_4, %dma_wait3A_199] : memref<256x800xi32, #tpu.memory_space<hbm>> -> memref<8x800xi32, #tpu.memory_space<hbm>>
      %dma_wait3A_201 = arith.constant 0 : i32
      %dma_wait3A_202 = tpu.memref_slice %arg3[%mul3A_4, %dma_wait3A_201] : memref<256x800xi32, #tpu.memory_space<hbm>> -> memref<8x800xi32, #tpu.memory_space<hbm>>
      tpu.wait_dma2 semaphore(%run_scoped3A : memref<!tpu.dma_semaphore, #tpu.memory_space<semaphore_mem>>) src(%dma_wait3A_202 : memref<8x800xi32, #tpu.memory_space<hbm>>) dst(%arg5 : memref<8x800xi32, #tpu.memory_space<vmem>>)
      tpu.yield
    }) : () -> ()
    %dma_start3A = arith.constant 0 : i32
    %dma_start3A_5 = arith.constant 0 : i32
    %dma_start3A_6 = tpu.memref_slice %arg5[%dma_start3A, %dma_start3A_5] : memref<8x800xi32, #tpu.memory_space<vmem>> -> memref<1x800xi32, #tpu.memory_space<vmem>>
    %dma_start3A_7 = tpu.memref_squeeze %dma_start3A_6 : memref<1x800xi32, #tpu.memory_space<vmem>> -> memref<800xi32, #tpu.memory_space<vmem>>
    %dma_start3A_8 = arith.constant 0 : i32
    %dma_start3A_9 = arith.constant 0 : i32
    %dma_start3A_10 = tpu.memref_slice %arg2[%dma_start3A_8, %dma_start3A_9] : memref<1000064x64xf32, #tpu.memory_space<hbm>> -> memref<1000064x64xf32, #tpu.memory_space<hbm>>
    tpu.enqueue_indirect_dma source(%dma_start3A_10 : memref<1000064x64xf32, #tpu.memory_space<hbm>>) target(%arg6 : memref<800x64xf32, #tpu.memory_space<vmem>>) offsets(%dma_start3A_7 : memref<800xi32, #tpu.memory_space<vmem>>) semaphore(%arg8 : memref<!tpu.dma_semaphore, #tpu.memory_space<semaphore_mem>>)
    %dma_start3A_11 = arith.constant 1 : i32
    %dma_start3A_12 = arith.constant 0 : i32
    %dma_start3A_13 = tpu.memref_slice %arg5[%dma_start3A_11, %dma_start3A_12] : memref<8x800xi32, #tpu.memory_space<vmem>> -> memref<1x800xi32, #tpu.memory_space<vmem>>
    %dma_start3A_14 = tpu.memref_squeeze %dma_start3A_13 : memref<1x800xi32, #tpu.memory_space<vmem>> -> memref<800xi32, #tpu.memory_space<vmem>>
    %dma_start3A_15 = arith.constant 0 : i32
    %dma_start3A_16 = arith.constant 0 : i32
    %dma_start3A_17 = tpu.memref_slice %arg2[%dma_start3A_15, %dma_start3A_16] : memref<1000064x64xf32, #tpu.memory_space<hbm>> -> memref<1000064x64xf32, #tpu.memory_space<hbm>>
    tpu.enqueue_indirect_dma source(%dma_start3A_17 : memref<1000064x64xf32, #tpu.memory_space<hbm>>) target(%arg7 : memref<800x64xf32, #tpu.memory_space<vmem>>) offsets(%dma_start3A_14 : memref<800xi32, #tpu.memory_space<vmem>>) semaphore(%arg9 : memref<!tpu.dma_semaphore, #tpu.memory_space<semaphore_mem>>)
    %dma_wait3A = arith.constant 0 : i32
    %dma_wait3A_18 = arith.constant 0 : i32
    %dma_wait3A_19 = tpu.memref_slice %arg5[%dma_wait3A, %dma_wait3A_18] : memref<8x800xi32, #tpu.memory_space<vmem>> -> memref<1x800xi32, #tpu.memory_space<vmem>>
    %dma_wait3A_20 = tpu.memref_squeeze %dma_wait3A_19 : memref<1x800xi32, #tpu.memory_space<vmem>> -> memref<800xi32, #tpu.memory_space<vmem>>
    %dma_wait3A_21 = arith.constant 0 : i32
    %dma_wait3A_22 = arith.constant 0 : i32
    %dma_wait3A_23 = tpu.memref_slice %arg2[%dma_wait3A_21, %dma_wait3A_22] : memref<1000064x64xf32, #tpu.memory_space<hbm>> -> memref<1000064x64xf32, #tpu.memory_space<hbm>>
    tpu.wait_indirect_dma semaphore(%arg8 : memref<!tpu.dma_semaphore, #tpu.memory_space<semaphore_mem>>) src(%dma_wait3A_23 : memref<1000064x64xf32, #tpu.memory_space<hbm>>) dst(%arg6 : memref<800x64xf32, #tpu.memory_space<vmem>>)
    %add3A_24 = arith.constant 0 : i32
    %add3A_25 = arith.addi %mul3A_2, %add3A_24 : i32
    %dma_start3A_26 = arith.constant 0 : i32
    %dma_start3A_27 = tpu.memref_slice %arg4[%add3A_25, %dma_start3A_26] : memref<204800x64xf32, #tpu.memory_space<hbm>> -> memref<800x64xf32, #tpu.memory_space<hbm>>
    %dma_start3A_28 = arith.constant 0 : i32
    %dma_start3A_29 = tpu.memref_slice %arg4[%add3A_25, %dma_start3A_28] : memref<204800x64xf32, #tpu.memory_space<hbm>> -> memref<800x64xf32, #tpu.memory_space<hbm>>
    tpu.enqueue_dma source(%arg6 : memref<800x64xf32, #tpu.memory_space<vmem>>) target(%dma_start3A_29 : memref<800x64xf32, #tpu.memory_space<hbm>>) target_semaphore(%arg10 : memref<!tpu.dma_semaphore, #tpu.memory_space<semaphore_mem>>)
    %dma_wait3A_30 = arith.constant 0 : i32
    %dma_wait3A_31 = tpu.memref_slice %arg4[%add3A_25, %dma_wait3A_30] : memref<204800x64xf32, #tpu.memory_space<hbm>> -> memref<800x64xf32, #tpu.memory_space<hbm>>
    %dma_wait3A_32 = arith.constant 0 : i32
    %dma_wait3A_33 = tpu.memref_slice %arg4[%add3A_25, %dma_wait3A_32] : memref<204800x64xf32, #tpu.memory_space<hbm>> -> memref<800x64xf32, #tpu.memory_space<hbm>>
    tpu.wait_dma2 semaphore(%arg10 : memref<!tpu.dma_semaphore, #tpu.memory_space<semaphore_mem>>) src(%arg6 : memref<800x64xf32, #tpu.memory_space<vmem>>) dst(%dma_wait3A_33 : memref<800x64xf32, #tpu.memory_space<hbm>>)
    %dma_start3A_34 = arith.constant 2 : i32
    %dma_start3A_35 = arith.constant 0 : i32
    %dma_start3A_36 = tpu.memref_slice %arg5[%dma_start3A_34, %dma_start3A_35] : memref<8x800xi32, #tpu.memory_space<vmem>> -> memref<1x800xi32, #tpu.memory_space<vmem>>
    %dma_start3A_37 = tpu.memref_squeeze %dma_start3A_36 : memref<1x800xi32, #tpu.memory_space<vmem>> -> memref<800xi32, #tpu.memory_space<vmem>>
    %dma_start3A_38 = arith.constant 0 : i32
    %dma_start3A_39 = arith.constant 0 : i32
    %dma_start3A_40 = tpu.memref_slice %arg2[%dma_start3A_38, %dma_start3A_39] : memref<1000064x64xf32, #tpu.memory_space<hbm>> -> memref<1000064x64xf32, #tpu.memory_space<hbm>>
    tpu.enqueue_indirect_dma source(%dma_start3A_40 : memref<1000064x64xf32, #tpu.memory_space<hbm>>) target(%arg6 : memref<800x64xf32, #tpu.memory_space<vmem>>) offsets(%dma_start3A_37 : memref<800xi32, #tpu.memory_space<vmem>>) semaphore(%arg8 : memref<!tpu.dma_semaphore, #tpu.memory_space<semaphore_mem>>)
    %dma_wait3A_41 = arith.constant 1 : i32
    %dma_wait3A_42 = arith.constant 0 : i32
    %dma_wait3A_43 = tpu.memref_slice %arg5[%dma_wait3A_41, %dma_wait3A_42] : memref<8x800xi32, #tpu.memory_space<vmem>> -> memref<1x800xi32, #tpu.memory_space<vmem>>
    %dma_wait3A_44 = tpu.memref_squeeze %dma_wait3A_43 : memref<1x800xi32, #tpu.memory_space<vmem>> -> memref<800xi32, #tpu.memory_space<vmem>>
    %dma_wait3A_45 = arith.constant 0 : i32
    %dma_wait3A_46 = arith.constant 0 : i32
    %dma_wait3A_47 = tpu.memref_slice %arg2[%dma_wait3A_45, %dma_wait3A_46] : memref<1000064x64xf32, #tpu.memory_space<hbm>> -> memref<1000064x64xf32, #tpu.memory_space<hbm>>
    tpu.wait_indirect_dma semaphore(%arg9 : memref<!tpu.dma_semaphore, #tpu.memory_space<semaphore_mem>>) src(%dma_wait3A_47 : memref<1000064x64xf32, #tpu.memory_space<hbm>>) dst(%arg7 : memref<800x64xf32, #tpu.memory_space<vmem>>)
    %add3A_48 = arith.constant 800 : i32
    %add3A_49 = arith.addi %mul3A_2, %add3A_48 : i32
    %dma_start3A_50 = arith.constant 0 : i32
    %dma_start3A_51 = tpu.memref_slice %arg4[%add3A_49, %dma_start3A_50] : memref<204800x64xf32, #tpu.memory_space<hbm>> -> memref<800x64xf32, #tpu.memory_space<hbm>>
    %dma_start3A_52 = arith.constant 0 : i32
    %dma_start3A_53 = tpu.memref_slice %arg4[%add3A_49, %dma_start3A_52] : memref<204800x64xf32, #tpu.memory_space<hbm>> -> memref<800x64xf32, #tpu.memory_space<hbm>>
    tpu.enqueue_dma source(%arg7 : memref<800x64xf32, #tpu.memory_space<vmem>>) target(%dma_start3A_53 : memref<800x64xf32, #tpu.memory_space<hbm>>) target_semaphore(%arg11 : memref<!tpu.dma_semaphore, #tpu.memory_space<semaphore_mem>>)
    %dma_wait3A_54 = arith.constant 0 : i32
    %dma_wait3A_55 = tpu.memref_slice %arg4[%add3A_49, %dma_wait3A_54] : memref<204800x64xf32, #tpu.memory_space<hbm>> -> memref<800x64xf32, #tpu.memory_space<hbm>>
    %dma_wait3A_56 = arith.constant 0 : i32
    %dma_wait3A_57 = tpu.memref_slice %arg4[%add3A_49, %dma_wait3A_56] : memref<204800x64xf32, #tpu.memory_space<hbm>> -> memref<800x64xf32, #tpu.memory_space<hbm>>
    tpu.wait_dma2 semaphore(%arg11 : memref<!tpu.dma_semaphore, #tpu.memory_space<semaphore_mem>>) src(%arg7 : memref<800x64xf32, #tpu.memory_space<vmem>>) dst(%dma_wait3A_57 : memref<800x64xf32, #tpu.memory_space<hbm>>)
    %dma_start3A_58 = arith.constant 3 : i32
    %dma_start3A_59 = arith.constant 0 : i32
    %dma_start3A_60 = tpu.memref_slice %arg5[%dma_start3A_58, %dma_start3A_59] : memref<8x800xi32, #tpu.memory_space<vmem>> -> memref<1x800xi32, #tpu.memory_space<vmem>>
    %dma_start3A_61 = tpu.memref_squeeze %dma_start3A_60 : memref<1x800xi32, #tpu.memory_space<vmem>> -> memref<800xi32, #tpu.memory_space<vmem>>
    %dma_start3A_62 = arith.constant 0 : i32
    %dma_start3A_63 = arith.constant 0 : i32
    %dma_start3A_64 = tpu.memref_slice %arg2[%dma_start3A_62, %dma_start3A_63] : memref<1000064x64xf32, #tpu.memory_space<hbm>> -> memref<1000064x64xf32, #tpu.memory_space<hbm>>
    tpu.enqueue_indirect_dma source(%dma_start3A_64 : memref<1000064x64xf32, #tpu.memory_space<hbm>>) target(%arg7 : memref<800x64xf32, #tpu.memory_space<vmem>>) offsets(%dma_start3A_61 : memref<800xi32, #tpu.memory_space<vmem>>) semaphore(%arg9 : memref<!tpu.dma_semaphore, #tpu.memory_space<semaphore_mem>>)
    %dma_wait3A_65 = arith.constant 2 : i32
    %dma_wait3A_66 = arith.constant 0 : i32
    %dma_wait3A_67 = tpu.memref_slice %arg5[%dma_wait3A_65, %dma_wait3A_66] : memref<8x800xi32, #tpu.memory_space<vmem>> -> memref<1x800xi32, #tpu.memory_space<vmem>>
    %dma_wait3A_68 = tpu.memref_squeeze %dma_wait3A_67 : memref<1x800xi32, #tpu.memory_space<vmem>> -> memref<800xi32, #tpu.memory_space<vmem>>
    %dma_wait3A_69 = arith.constant 0 : i32
    %dma_wait3A_70 = arith.constant 0 : i32
    %dma_wait3A_71 = tpu.memref_slice %arg2[%dma_wait3A_69, %dma_wait3A_70] : memref<1000064x64xf32, #tpu.memory_space<hbm>> -> memref<1000064x64xf32, #tpu.memory_space<hbm>>
    tpu.wait_indirect_dma semaphore(%arg8 : memref<!tpu.dma_semaphore, #tpu.memory_space<semaphore_mem>>) src(%dma_wait3A_71 : memref<1000064x64xf32, #tpu.memory_space<hbm>>) dst(%arg6 : memref<800x64xf32, #tpu.memory_space<vmem>>)
    %add3A_72 = arith.constant 1600 : i32
    %add3A_73 = arith.addi %mul3A_2, %add3A_72 : i32
    %dma_start3A_74 = arith.constant 0 : i32
    %dma_start3A_75 = tpu.memref_slice %arg4[%add3A_73, %dma_start3A_74] : memref<204800x64xf32, #tpu.memory_space<hbm>> -> memref<800x64xf32, #tpu.memory_space<hbm>>
    %dma_start3A_76 = arith.constant 0 : i32
    %dma_start3A_77 = tpu.memref_slice %arg4[%add3A_73, %dma_start3A_76] : memref<204800x64xf32, #tpu.memory_space<hbm>> -> memref<800x64xf32, #tpu.memory_space<hbm>>
    tpu.enqueue_dma source(%arg6 : memref<800x64xf32, #tpu.memory_space<vmem>>) target(%dma_start3A_77 : memref<800x64xf32, #tpu.memory_space<hbm>>) target_semaphore(%arg10 : memref<!tpu.dma_semaphore, #tpu.memory_space<semaphore_mem>>)
    %dma_wait3A_78 = arith.constant 0 : i32
    %dma_wait3A_79 = tpu.memref_slice %arg4[%add3A_73, %dma_wait3A_78] : memref<204800x64xf32, #tpu.memory_space<hbm>> -> memref<800x64xf32, #tpu.memory_space<hbm>>
    %dma_wait3A_80 = arith.constant 0 : i32
    %dma_wait3A_81 = tpu.memref_slice %arg4[%add3A_73, %dma_wait3A_80] : memref<204800x64xf32, #tpu.memory_space<hbm>> -> memref<800x64xf32, #tpu.memory_space<hbm>>
    tpu.wait_dma2 semaphore(%arg10 : memref<!tpu.dma_semaphore, #tpu.memory_space<semaphore_mem>>) src(%arg6 : memref<800x64xf32, #tpu.memory_space<vmem>>) dst(%dma_wait3A_81 : memref<800x64xf32, #tpu.memory_space<hbm>>)
    %dma_start3A_82 = arith.constant 4 : i32
    %dma_start3A_83 = arith.constant 0 : i32
    %dma_start3A_84 = tpu.memref_slice %arg5[%dma_start3A_82, %dma_start3A_83] : memref<8x800xi32, #tpu.memory_space<vmem>> -> memref<1x800xi32, #tpu.memory_space<vmem>>
    %dma_start3A_85 = tpu.memref_squeeze %dma_start3A_84 : memref<1x800xi32, #tpu.memory_space<vmem>> -> memref<800xi32, #tpu.memory_space<vmem>>
    %dma_start3A_86 = arith.constant 0 : i32
    %dma_start3A_87 = arith.constant 0 : i32
    %dma_start3A_88 = tpu.memref_slice %arg2[%dma_start3A_86, %dma_start3A_87] : memref<1000064x64xf32, #tpu.memory_space<hbm>> -> memref<1000064x64xf32, #tpu.memory_space<hbm>>
    tpu.enqueue_indirect_dma source(%dma_start3A_88 : memref<1000064x64xf32, #tpu.memory_space<hbm>>) target(%arg6 : memref<800x64xf32, #tpu.memory_space<vmem>>) offsets(%dma_start3A_85 : memref<800xi32, #tpu.memory_space<vmem>>) semaphore(%arg8 : memref<!tpu.dma_semaphore, #tpu.memory_space<semaphore_mem>>)
    %dma_wait3A_89 = arith.constant 3 : i32
    %dma_wait3A_90 = arith.constant 0 : i32
    %dma_wait3A_91 = tpu.memref_slice %arg5[%dma_wait3A_89, %dma_wait3A_90] : memref<8x800xi32, #tpu.memory_space<vmem>> -> memref<1x800xi32, #tpu.memory_space<vmem>>
    %dma_wait3A_92 = tpu.memref_squeeze %dma_wait3A_91 : memref<1x800xi32, #tpu.memory_space<vmem>> -> memref<800xi32, #tpu.memory_space<vmem>>
    %dma_wait3A_93 = arith.constant 0 : i32
    %dma_wait3A_94 = arith.constant 0 : i32
    %dma_wait3A_95 = tpu.memref_slice %arg2[%dma_wait3A_93, %dma_wait3A_94] : memref<1000064x64xf32, #tpu.memory_space<hbm>> -> memref<1000064x64xf32, #tpu.memory_space<hbm>>
    tpu.wait_indirect_dma semaphore(%arg9 : memref<!tpu.dma_semaphore, #tpu.memory_space<semaphore_mem>>) src(%dma_wait3A_95 : memref<1000064x64xf32, #tpu.memory_space<hbm>>) dst(%arg7 : memref<800x64xf32, #tpu.memory_space<vmem>>)
    %add3A_96 = arith.constant 2400 : i32
    %add3A_97 = arith.addi %mul3A_2, %add3A_96 : i32
    %dma_start3A_98 = arith.constant 0 : i32
    %dma_start3A_99 = tpu.memref_slice %arg4[%add3A_97, %dma_start3A_98] : memref<204800x64xf32, #tpu.memory_space<hbm>> -> memref<800x64xf32, #tpu.memory_space<hbm>>
    %dma_start3A_100 = arith.constant 0 : i32
    %dma_start3A_101 = tpu.memref_slice %arg4[%add3A_97, %dma_start3A_100] : memref<204800x64xf32, #tpu.memory_space<hbm>> -> memref<800x64xf32, #tpu.memory_space<hbm>>
    tpu.enqueue_dma source(%arg7 : memref<800x64xf32, #tpu.memory_space<vmem>>) target(%dma_start3A_101 : memref<800x64xf32, #tpu.memory_space<hbm>>) target_semaphore(%arg11 : memref<!tpu.dma_semaphore, #tpu.memory_space<semaphore_mem>>)
    %dma_wait3A_102 = arith.constant 0 : i32
    %dma_wait3A_103 = tpu.memref_slice %arg4[%add3A_97, %dma_wait3A_102] : memref<204800x64xf32, #tpu.memory_space<hbm>> -> memref<800x64xf32, #tpu.memory_space<hbm>>
    %dma_wait3A_104 = arith.constant 0 : i32
    %dma_wait3A_105 = tpu.memref_slice %arg4[%add3A_97, %dma_wait3A_104] : memref<204800x64xf32, #tpu.memory_space<hbm>> -> memref<800x64xf32, #tpu.memory_space<hbm>>
    tpu.wait_dma2 semaphore(%arg11 : memref<!tpu.dma_semaphore, #tpu.memory_space<semaphore_mem>>) src(%arg7 : memref<800x64xf32, #tpu.memory_space<vmem>>) dst(%dma_wait3A_105 : memref<800x64xf32, #tpu.memory_space<hbm>>)
    %dma_start3A_106 = arith.constant 5 : i32
    %dma_start3A_107 = arith.constant 0 : i32
    %dma_start3A_108 = tpu.memref_slice %arg5[%dma_start3A_106, %dma_start3A_107] : memref<8x800xi32, #tpu.memory_space<vmem>> -> memref<1x800xi32, #tpu.memory_space<vmem>>
    %dma_start3A_109 = tpu.memref_squeeze %dma_start3A_108 : memref<1x800xi32, #tpu.memory_space<vmem>> -> memref<800xi32, #tpu.memory_space<vmem>>
    %dma_start3A_110 = arith.constant 0 : i32
    %dma_start3A_111 = arith.constant 0 : i32
    %dma_start3A_112 = tpu.memref_slice %arg2[%dma_start3A_110, %dma_start3A_111] : memref<1000064x64xf32, #tpu.memory_space<hbm>> -> memref<1000064x64xf32, #tpu.memory_space<hbm>>
    tpu.enqueue_indirect_dma source(%dma_start3A_112 : memref<1000064x64xf32, #tpu.memory_space<hbm>>) target(%arg7 : memref<800x64xf32, #tpu.memory_space<vmem>>) offsets(%dma_start3A_109 : memref<800xi32, #tpu.memory_space<vmem>>) semaphore(%arg9 : memref<!tpu.dma_semaphore, #tpu.memory_space<semaphore_mem>>)
    %dma_wait3A_113 = arith.constant 4 : i32
    %dma_wait3A_114 = arith.constant 0 : i32
    %dma_wait3A_115 = tpu.memref_slice %arg5[%dma_wait3A_113, %dma_wait3A_114] : memref<8x800xi32, #tpu.memory_space<vmem>> -> memref<1x800xi32, #tpu.memory_space<vmem>>
    %dma_wait3A_116 = tpu.memref_squeeze %dma_wait3A_115 : memref<1x800xi32, #tpu.memory_space<vmem>> -> memref<800xi32, #tpu.memory_space<vmem>>
    %dma_wait3A_117 = arith.constant 0 : i32
    %dma_wait3A_118 = arith.constant 0 : i32
    %dma_wait3A_119 = tpu.memref_slice %arg2[%dma_wait3A_117, %dma_wait3A_118] : memref<1000064x64xf32, #tpu.memory_space<hbm>> -> memref<1000064x64xf32, #tpu.memory_space<hbm>>
    tpu.wait_indirect_dma semaphore(%arg8 : memref<!tpu.dma_semaphore, #tpu.memory_space<semaphore_mem>>) src(%dma_wait3A_119 : memref<1000064x64xf32, #tpu.memory_space<hbm>>) dst(%arg6 : memref<800x64xf32, #tpu.memory_space<vmem>>)
    %add3A_120 = arith.constant 3200 : i32
    %add3A_121 = arith.addi %mul3A_2, %add3A_120 : i32
    %dma_start3A_122 = arith.constant 0 : i32
    %dma_start3A_123 = tpu.memref_slice %arg4[%add3A_121, %dma_start3A_122] : memref<204800x64xf32, #tpu.memory_space<hbm>> -> memref<800x64xf32, #tpu.memory_space<hbm>>
    %dma_start3A_124 = arith.constant 0 : i32
    %dma_start3A_125 = tpu.memref_slice %arg4[%add3A_121, %dma_start3A_124] : memref<204800x64xf32, #tpu.memory_space<hbm>> -> memref<800x64xf32, #tpu.memory_space<hbm>>
    tpu.enqueue_dma source(%arg6 : memref<800x64xf32, #tpu.memory_space<vmem>>) target(%dma_start3A_125 : memref<800x64xf32, #tpu.memory_space<hbm>>) target_semaphore(%arg10 : memref<!tpu.dma_semaphore, #tpu.memory_space<semaphore_mem>>)
    %dma_wait3A_126 = arith.constant 0 : i32
    %dma_wait3A_127 = tpu.memref_slice %arg4[%add3A_121, %dma_wait3A_126] : memref<204800x64xf32, #tpu.memory_space<hbm>> -> memref<800x64xf32, #tpu.memory_space<hbm>>
    %dma_wait3A_128 = arith.constant 0 : i32
    %dma_wait3A_129 = tpu.memref_slice %arg4[%add3A_121, %dma_wait3A_128] : memref<204800x64xf32, #tpu.memory_space<hbm>> -> memref<800x64xf32, #tpu.memory_space<hbm>>
    tpu.wait_dma2 semaphore(%arg10 : memref<!tpu.dma_semaphore, #tpu.memory_space<semaphore_mem>>) src(%arg6 : memref<800x64xf32, #tpu.memory_space<vmem>>) dst(%dma_wait3A_129 : memref<800x64xf32, #tpu.memory_space<hbm>>)
    %dma_start3A_130 = arith.constant 6 : i32
    %dma_start3A_131 = arith.constant 0 : i32
    %dma_start3A_132 = tpu.memref_slice %arg5[%dma_start3A_130, %dma_start3A_131] : memref<8x800xi32, #tpu.memory_space<vmem>> -> memref<1x800xi32, #tpu.memory_space<vmem>>
    %dma_start3A_133 = tpu.memref_squeeze %dma_start3A_132 : memref<1x800xi32, #tpu.memory_space<vmem>> -> memref<800xi32, #tpu.memory_space<vmem>>
    %dma_start3A_134 = arith.constant 0 : i32
    %dma_start3A_135 = arith.constant 0 : i32
    %dma_start3A_136 = tpu.memref_slice %arg2[%dma_start3A_134, %dma_start3A_135] : memref<1000064x64xf32, #tpu.memory_space<hbm>> -> memref<1000064x64xf32, #tpu.memory_space<hbm>>
    tpu.enqueue_indirect_dma source(%dma_start3A_136 : memref<1000064x64xf32, #tpu.memory_space<hbm>>) target(%arg6 : memref<800x64xf32, #tpu.memory_space<vmem>>) offsets(%dma_start3A_133 : memref<800xi32, #tpu.memory_space<vmem>>) semaphore(%arg8 : memref<!tpu.dma_semaphore, #tpu.memory_space<semaphore_mem>>)
    %dma_wait3A_137 = arith.constant 5 : i32
    %dma_wait3A_138 = arith.constant 0 : i32
    %dma_wait3A_139 = tpu.memref_slice %arg5[%dma_wait3A_137, %dma_wait3A_138] : memref<8x800xi32, #tpu.memory_space<vmem>> -> memref<1x800xi32, #tpu.memory_space<vmem>>
    %dma_wait3A_140 = tpu.memref_squeeze %dma_wait3A_139 : memref<1x800xi32, #tpu.memory_space<vmem>> -> memref<800xi32, #tpu.memory_space<vmem>>
    %dma_wait3A_141 = arith.constant 0 : i32
    %dma_wait3A_142 = arith.constant 0 : i32
    %dma_wait3A_143 = tpu.memref_slice %arg2[%dma_wait3A_141, %dma_wait3A_142] : memref<1000064x64xf32, #tpu.memory_space<hbm>> -> memref<1000064x64xf32, #tpu.memory_space<hbm>>
    tpu.wait_indirect_dma semaphore(%arg9 : memref<!tpu.dma_semaphore, #tpu.memory_space<semaphore_mem>>) src(%dma_wait3A_143 : memref<1000064x64xf32, #tpu.memory_space<hbm>>) dst(%arg7 : memref<800x64xf32, #tpu.memory_space<vmem>>)
    %add3A_144 = arith.constant 4000 : i32
    %add3A_145 = arith.addi %mul3A_2, %add3A_144 : i32
    %dma_start3A_146 = arith.constant 0 : i32
    %dma_start3A_147 = tpu.memref_slice %arg4[%add3A_145, %dma_start3A_146] : memref<204800x64xf32, #tpu.memory_space<hbm>> -> memref<800x64xf32, #tpu.memory_space<hbm>>
    %dma_start3A_148 = arith.constant 0 : i32
    %dma_start3A_149 = tpu.memref_slice %arg4[%add3A_145, %dma_start3A_148] : memref<204800x64xf32, #tpu.memory_space<hbm>> -> memref<800x64xf32, #tpu.memory_space<hbm>>
    tpu.enqueue_dma source(%arg7 : memref<800x64xf32, #tpu.memory_space<vmem>>) target(%dma_start3A_149 : memref<800x64xf32, #tpu.memory_space<hbm>>) target_semaphore(%arg11 : memref<!tpu.dma_semaphore, #tpu.memory_space<semaphore_mem>>)
    %dma_wait3A_150 = arith.constant 0 : i32
    %dma_wait3A_151 = tpu.memref_slice %arg4[%add3A_145, %dma_wait3A_150] : memref<204800x64xf32, #tpu.memory_space<hbm>> -> memref<800x64xf32, #tpu.memory_space<hbm>>
    %dma_wait3A_152 = arith.constant 0 : i32
    %dma_wait3A_153 = tpu.memref_slice %arg4[%add3A_145, %dma_wait3A_152] : memref<204800x64xf32, #tpu.memory_space<hbm>> -> memref<800x64xf32, #tpu.memory_space<hbm>>
    tpu.wait_dma2 semaphore(%arg11 : memref<!tpu.dma_semaphore, #tpu.memory_space<semaphore_mem>>) src(%arg7 : memref<800x64xf32, #tpu.memory_space<vmem>>) dst(%dma_wait3A_153 : memref<800x64xf32, #tpu.memory_space<hbm>>)
    %dma_start3A_154 = arith.constant 7 : i32
    %dma_start3A_155 = arith.constant 0 : i32
    %dma_start3A_156 = tpu.memref_slice %arg5[%dma_start3A_154, %dma_start3A_155] : memref<8x800xi32, #tpu.memory_space<vmem>> -> memref<1x800xi32, #tpu.memory_space<vmem>>
    %dma_start3A_157 = tpu.memref_squeeze %dma_start3A_156 : memref<1x800xi32, #tpu.memory_space<vmem>> -> memref<800xi32, #tpu.memory_space<vmem>>
    %dma_start3A_158 = arith.constant 0 : i32
    %dma_start3A_159 = arith.constant 0 : i32
    %dma_start3A_160 = tpu.memref_slice %arg2[%dma_start3A_158, %dma_start3A_159] : memref<1000064x64xf32, #tpu.memory_space<hbm>> -> memref<1000064x64xf32, #tpu.memory_space<hbm>>
    tpu.enqueue_indirect_dma source(%dma_start3A_160 : memref<1000064x64xf32, #tpu.memory_space<hbm>>) target(%arg7 : memref<800x64xf32, #tpu.memory_space<vmem>>) offsets(%dma_start3A_157 : memref<800xi32, #tpu.memory_space<vmem>>) semaphore(%arg9 : memref<!tpu.dma_semaphore, #tpu.memory_space<semaphore_mem>>)
    %dma_wait3A_161 = arith.constant 6 : i32
    %dma_wait3A_162 = arith.constant 0 : i32
    %dma_wait3A_163 = tpu.memref_slice %arg5[%dma_wait3A_161, %dma_wait3A_162] : memref<8x800xi32, #tpu.memory_space<vmem>> -> memref<1x800xi32, #tpu.memory_space<vmem>>
    %dma_wait3A_164 = tpu.memref_squeeze %dma_wait3A_163 : memref<1x800xi32, #tpu.memory_space<vmem>> -> memref<800xi32, #tpu.memory_space<vmem>>
    %dma_wait3A_165 = arith.constant 0 : i32
    %dma_wait3A_166 = arith.constant 0 : i32
    %dma_wait3A_167 = tpu.memref_slice %arg2[%dma_wait3A_165, %dma_wait3A_166] : memref<1000064x64xf32, #tpu.memory_space<hbm>> -> memref<1000064x64xf32, #tpu.memory_space<hbm>>
    tpu.wait_indirect_dma semaphore(%arg8 : memref<!tpu.dma_semaphore, #tpu.memory_space<semaphore_mem>>) src(%dma_wait3A_167 : memref<1000064x64xf32, #tpu.memory_space<hbm>>) dst(%arg6 : memref<800x64xf32, #tpu.memory_space<vmem>>)
    %add3A_168 = arith.constant 4800 : i32
    %add3A_169 = arith.addi %mul3A_2, %add3A_168 : i32
    %dma_start3A_170 = arith.constant 0 : i32
    %dma_start3A_171 = tpu.memref_slice %arg4[%add3A_169, %dma_start3A_170] : memref<204800x64xf32, #tpu.memory_space<hbm>> -> memref<800x64xf32, #tpu.memory_space<hbm>>
    %dma_start3A_172 = arith.constant 0 : i32
    %dma_start3A_173 = tpu.memref_slice %arg4[%add3A_169, %dma_start3A_172] : memref<204800x64xf32, #tpu.memory_space<hbm>> -> memref<800x64xf32, #tpu.memory_space<hbm>>
    tpu.enqueue_dma source(%arg6 : memref<800x64xf32, #tpu.memory_space<vmem>>) target(%dma_start3A_173 : memref<800x64xf32, #tpu.memory_space<hbm>>) target_semaphore(%arg10 : memref<!tpu.dma_semaphore, #tpu.memory_space<semaphore_mem>>)
    %dma_wait3A_174 = arith.constant 7 : i32
    %dma_wait3A_175 = arith.constant 0 : i32
    %dma_wait3A_176 = tpu.memref_slice %arg5[%dma_wait3A_174, %dma_wait3A_175] : memref<8x800xi32, #tpu.memory_space<vmem>> -> memref<1x800xi32, #tpu.memory_space<vmem>>
    %dma_wait3A_177 = tpu.memref_squeeze %dma_wait3A_176 : memref<1x800xi32, #tpu.memory_space<vmem>> -> memref<800xi32, #tpu.memory_space<vmem>>
    %dma_wait3A_178 = arith.constant 0 : i32
    %dma_wait3A_179 = arith.constant 0 : i32
    %dma_wait3A_180 = tpu.memref_slice %arg2[%dma_wait3A_178, %dma_wait3A_179] : memref<1000064x64xf32, #tpu.memory_space<hbm>> -> memref<1000064x64xf32, #tpu.memory_space<hbm>>
    tpu.wait_indirect_dma semaphore(%arg9 : memref<!tpu.dma_semaphore, #tpu.memory_space<semaphore_mem>>) src(%dma_wait3A_180 : memref<1000064x64xf32, #tpu.memory_space<hbm>>) dst(%arg7 : memref<800x64xf32, #tpu.memory_space<vmem>>)
    %add3A_181 = arith.constant 5600 : i32
    %add3A_182 = arith.addi %mul3A_2, %add3A_181 : i32
    %dma_start3A_183 = arith.constant 0 : i32
    %dma_start3A_184 = tpu.memref_slice %arg4[%add3A_182, %dma_start3A_183] : memref<204800x64xf32, #tpu.memory_space<hbm>> -> memref<800x64xf32, #tpu.memory_space<hbm>>
    %dma_start3A_185 = arith.constant 0 : i32
    %dma_start3A_186 = tpu.memref_slice %arg4[%add3A_182, %dma_start3A_185] : memref<204800x64xf32, #tpu.memory_space<hbm>> -> memref<800x64xf32, #tpu.memory_space<hbm>>
    tpu.enqueue_dma source(%arg7 : memref<800x64xf32, #tpu.memory_space<vmem>>) target(%dma_start3A_186 : memref<800x64xf32, #tpu.memory_space<hbm>>) target_semaphore(%arg11 : memref<!tpu.dma_semaphore, #tpu.memory_space<semaphore_mem>>)
    %dma_wait3A_187 = arith.constant 0 : i32
    %dma_wait3A_188 = tpu.memref_slice %arg4[%add3A_169, %dma_wait3A_187] : memref<204800x64xf32, #tpu.memory_space<hbm>> -> memref<800x64xf32, #tpu.memory_space<hbm>>
    %dma_wait3A_189 = arith.constant 0 : i32
    %dma_wait3A_190 = tpu.memref_slice %arg4[%add3A_169, %dma_wait3A_189] : memref<204800x64xf32, #tpu.memory_space<hbm>> -> memref<800x64xf32, #tpu.memory_space<hbm>>
    tpu.wait_dma2 semaphore(%arg10 : memref<!tpu.dma_semaphore, #tpu.memory_space<semaphore_mem>>) src(%arg6 : memref<800x64xf32, #tpu.memory_space<vmem>>) dst(%dma_wait3A_190 : memref<800x64xf32, #tpu.memory_space<hbm>>)
    %dma_wait3A_191 = arith.constant 0 : i32
    %dma_wait3A_192 = tpu.memref_slice %arg4[%add3A_182, %dma_wait3A_191] : memref<204800x64xf32, #tpu.memory_space<hbm>> -> memref<800x64xf32, #tpu.memory_space<hbm>>
    %dma_wait3A_193 = arith.constant 0 : i32
    %dma_wait3A_194 = tpu.memref_slice %arg4[%add3A_182, %dma_wait3A_193] : memref<204800x64xf32, #tpu.memory_space<hbm>> -> memref<800x64xf32, #tpu.memory_space<hbm>>
    tpu.wait_dma2 semaphore(%arg11 : memref<!tpu.dma_semaphore, #tpu.memory_space<semaphore_mem>>) src(%arg7 : memref<800x64xf32, #tpu.memory_space<vmem>>) dst(%dma_wait3A_194 : memref<800x64xf32, #tpu.memory_space<hbm>>)
    return
  }
}

module attributes {stable_mosaic.version = 14 : i64} {
  func.func @_mask_body(%arg0: memref<1024x200xi32, #tpu.memory_space<vmem>>, %arg1: memref<1024x200xi32, #tpu.memory_space<vmem>>, %arg2: memref<200x200xi32, #tpu.memory_space<vmem>>) attributes {dimension_semantics = [], scalar_prefetch = 0 : i64, scratch_operands = 0 : i64, tpu.core_type = #tpu.core_type<tc>} {
    %get3A = arith.constant 0 : index
    %get3A_0 = arith.constant 0 : index
    %get3A_1 = vector.load %arg0[%get3A, %get3A_0] : memref<1024x200xi32, #tpu.memory_space<vmem>>, vector<1024x200xi32>
    %eq3A = arith.constant 0 : i32
    %eq3A_2 = vector.broadcast %eq3A : i32 to vector<1024x200xi32>
    %eq3A_3 = arith.cmpi eq, %get3A_1, %eq3A_2 : vector<1024x200xi32>
    %swap3A = arith.constant 0 : index
    %swap3A_4 = arith.constant 0 : index
    %swap3A_5 = vector.load %arg1[%swap3A, %swap3A_4] : memref<1024x200xi32, #tpu.memory_space<vmem>>, vector<1024x200xi32>
    %swap3A_6 = arith.extui %eq3A_3 : vector<1024x200xi1> to vector<1024x200xi32>
    %swap3A_7 = arith.constant dense<0> : vector<1024x200xi32>
    %swap3A_8 = arith.cmpi ne, %swap3A_5, %swap3A_7 : vector<1024x200xi32>
    tpu.vector_store %arg1[%swap3A, %swap3A_4], %swap3A_6 {strides = array<i32>} : memref<1024x200xi32, #tpu.memory_space<vmem>>, vector<1024x200xi32>,
    %iota3A = tpu.iota {dimensions = array<i32: 0>} : vector<200x200xi32>
    %iota3A_9 = tpu.iota {dimensions = array<i32: 1>} : vector<200x200xi32>
    %gt3A = arith.cmpi sgt, %iota3A_9, %iota3A : vector<200x200xi32>
    %swap3A_10 = arith.constant 0 : index
    %swap3A_11 = arith.constant 0 : index
    %swap3A_12 = vector.load %arg2[%swap3A_10, %swap3A_11] : memref<200x200xi32, #tpu.memory_space<vmem>>, vector<200x200xi32>
    %swap3A_13 = arith.extui %gt3A : vector<200x200xi1> to vector<200x200xi32>
    %swap3A_14 = arith.constant dense<0> : vector<200x200xi32>
    %swap3A_15 = arith.cmpi ne, %swap3A_12, %swap3A_14 : vector<200x200xi32>
    tpu.vector_store %arg2[%swap3A_10, %swap3A_11], %swap3A_13 {strides = array<i32>} : memref<200x200xi32, #tpu.memory_space<vmem>>, vector<200x200xi32>,
    return
  }
}

</mosaic_0001>

<sc_bundles>
// kernel: kernel.5.cloned.1.call-start
scs
__scs_entry_jumppad:
0x0: {  	(pc) =	sbr.rel $0x88, $3  }
0x1: {  	(tag) =	ssettag $0x0;
	lr =	simm.s32 $0x1  }
0x2: {  	[smem:$0x3F9F] =	sst lr;
	_ =	strace $0xD0000000  }
0x3: {  	_ = 	snop  }
0x4: {  	_ = 	snop  }
0x5: {  	_ = 	snop  }
0x6: {  	_ = 	snop  }
0x7: {  	_ = 	snop  }
__scs_overlays_trampoline_lowered:
0x8: {  	[smem:$0x3FAE] =	sst s0  }
0x9: {  	[smem:$0x3FAF] =	sst s1  }
0xa: {  	[smem:$0x3FB0] =	sst s2  }
0xb: {  	[smem:$0x3FB1] =	sst s3  }
0xc: {  	[smem:$0x3FB2] =	sst s4  }
0xd: {  	[smem:$0x3FB3] =	sst s5  }
0xe: {  	[smem:$0x3FB4] =	sst s6  }
0xf: {  	[smem:$0x3FB5] =	sst s7  }
0x10: {  	[smem:$0x3FB6] =	sst s8  }
0x11: {  	[smem:$0x3FB7] =	sst s9;
	s0 =	simm.s32 @!p0 $0x0  }
0x12: {  	s1 =	sld [smem:$0x3F9D];
	s0 =	simm.s32 @p0 $0x1  }
0x13: {  	[smem:$0x3FB8] =	sst s0;
	s0 =	simm.s32 @!p1 $0x0  }
0x14: {  	s2 =	sld [smem:$0x3F9C];
	s0 =	simm.s32 @p1 $0x1  }
0x15: {  	[smem:$0x3FB9] =	sst s0;
	s0 =	simm.s32 @!p2 $0x0  }
0x16: {  	s3 =	sld [smem:$0x3FDB];
	s0 =	simm.s32 @p2 $0x1  }
0x17: {  	s4 =	simm.s32 $0x1BF5;
	[smem:$0x3FBB] =	sst s0  }
0x18: {  	s0 =	sld [smem:$0x3F9E];
	_ =	swait.ge [sflag:s4], $0x0  }
0x19: {  	s7 =	sld [smem:$0x3F9F]  }
0x1a: {  	s8 =	sadd.s32 $0xFFFFE003, lr  }
0x1b: {  	s9 =	sadd.s32 $0xFFFFFEF7, lr;
	s5 =	simm.s32 $0xFFFFFFFF;
	p2 =	slt.u32 s8, $0xFFFFF086  }
0x1c: {  	p1 =	slt.u32 s9, $0xF7A;
	s5 =	simm.s32 @!p2 $0x0  }
0x1d: {  	s5 =	simm.s32 @p1 $0x1;
	p0 =	seq.s32 s7, s2  }
0x1e: {  	s7 =	smul.u32 @!p0 $0xF7A, s2;
	p2 =	seq.s32 @!p0 s5, $0x0  }
0x1f: {  	s9 =	smul.u32 $0xF7A, s1;
	s8 =	simm.s32 @!p0 $0x1BF5;
	p2 =	por !p2, p0  }
0x20: {  	[sflag:s8] =	ssyncset.s32 @!p0 $0xFFFFF086;
	s6 =	sadd.s32 @!p0 s3, s7;
	s7 =	simm.s32 @!p0 $0x108  }
0x21: {  	s3 =	sadd.s32 s3, s9;
	s6 =	sadd.s32 @!p0 $0x88, s6;
	s7 =	simm.s32 @p2 $0x1082  }
0x22: {  	[simem:s7], [sflag:s8] =	dma.local @!p0 [hbm:s6], $0xF7A  }
0x23: {  	s9 =	sor.u32 $0xD0000000, s2;
	s6 =	simm.s32 $0x108;
	_ =	swait.ge @!p0 [sflag:s8], $0x0  }
0x24: {  	s3 =	sadd.s32 $0x88, s3;
	s6 =	simm.s32 @!p1 $0x1082;
	[sflag:s4] =	ssyncset.s32 $0xFFFFF086  }
0x25: {  	[simem:s6], [sflag:s4] =	dma.local [hbm:s3], $0xF7A  }
0x26: {  	[smem:$0x3F9F] =	sst s1;
	(tag) =	ssettag s2;
	_ =	strace s9  }
0x27: {  	s1 =	sld [smem:$0x3FAF]  }
0x28: {  	s2 =	sld [smem:$0x3FB0]  }
0x29: {  	s4 =	sld [smem:$0x3FB2]  }
0x2a: {  	p0 =	seq.s32 s5, $0x0;
	s5 =	sld [smem:$0x3FB3]  }
0x2b: {  	s6 =	sld [smem:$0x3FB4]  }
0x2c: {  	s7 =	sld [smem:$0x3FB5]  }
0x2d: {  	s3 =	simm.s32 $0x108;
	s8 =	sld [smem:$0x3FB6]  }
0x2e: {  	s3 =	simm.s32 @!p0 $0x1082;
	s9 =	sld [smem:$0x3FB7]  }
0x2f: {  	lr =	sadd.s32 s0, s3;
	s0 =	sld [smem:$0x3FAE]  }
0x30: {  	s3 =	sld [smem:$0x3FB1]  }
0x31: {  	[smem:$0x3FBA] =	sst s10  }
0x32: {  	s10 =	sld [smem:$0x3FB8];
	_ =	sdelay $0x3  }
0x33: {  	p0 =	seq.s32 s10, $0x1;
	s10 =	sld [smem:$0x3FBA];
	_ =	sdelay $0x3  }
0x34: {  	[smem:$0x3FBA] =	sst s10  }
0x35: {  	s10 =	sld [smem:$0x3FB9];
	_ =	sdelay $0x3  }
0x36: {  	p1 =	seq.s32 s10, $0x1;
	s10 =	sld [smem:$0x3FBA];
	_ =	sdelay $0x3  }
0x37: {  	[smem:$0x3FBA] =	sst s10  }
0x38: {  	s10 =	sld [smem:$0x3FBB]  }
0x39: {  	_ = 	snop;
	(pc) =	sbr.ind lr, $3  }
0x3a: {  	_ = 	snop  }
0x3b: {  	_ = 	snop  }
0x3c: {  	p2 =	seq.s32 s10, $0x1;
	s10 =	sld [smem:$0x3FBA]  }
0x3d: {  	_ =	shalt  }
0x3e: {  	_ =	shalt  }
0x3f: {  	_ =	shalt  }
0x40: {  	_ =	shalt  }
0x41: {  	_ =	shalt  }
0x42: {  	_ =	shalt  }
0x43: {  	_ =	shalt  }
0x44: {  	_ =	shalt  }
0x45: {  	_ =	shalt  }
0x46: {  	_ =	shalt  }
0x47: {  	_ =	shalt  }
0x48: {  	_ =	shalt  }
0x49: {  	_ =	shalt  }
0x4a: {  	_ =	shalt  }
0x4b: {  	_ =	shalt  }
0x4c: {  	_ =	shalt  }
0x4d: {  	_ =	shalt  }
0x4e: {  	_ =	shalt  }
0x4f: {  	_ =	shalt  }
0x50: {  	_ =	shalt  }
0x51: {  	_ =	shalt  }
0x52: {  	_ =	shalt  }
0x53: {  	_ =	shalt  }
0x54: {  	_ =	shalt  }
0x55: {  	_ =	shalt  }
0x56: {  	_ =	shalt  }
0x57: {  	_ =	shalt  }
0x58: {  	_ =	shalt  }
0x59: {  	_ =	shalt  }
0x5a: {  	_ =	shalt  }
0x5b: {  	_ =	shalt  }
0x5c: {  	_ =	shalt  }
0x5d: {  	_ =	shalt  }
0x5e: {  	_ =	shalt  }
0x5f: {  	_ =	shalt  }
0x60: {  	_ =	shalt  }
0x61: {  	_ =	shalt  }
0x62: {  	_ =	shalt  }
0x63: {  	_ =	shalt  }
0x64: {  	_ =	shalt  }
0x65: {  	_ =	shalt  }
0x66: {  	_ =	shalt  }
0x67: {  	_ =	shalt  }
0x68: {  	_ =	shalt  }
0x69: {  	_ =	shalt  }
0x6a: {  	_ =	shalt  }
0x6b: {  	_ =	shalt  }
0x6c: {  	_ =	shalt  }
0x6d: {  	_ =	shalt  }
0x6e: {  	_ =	shalt  }
0x6f: {  	_ =	shalt  }
0x70: {  	_ =	shalt  }
0x71: {  	_ =	shalt  }
0x72: {  	_ =	shalt  }
0x73: {  	_ =	shalt  }
0x74: {  	_ =	shalt  }
0x75: {  	_ =	shalt  }
0x76: {  	_ =	shalt  }
0x77: {  	_ =	shalt  }
0x78: {  	_ =	shalt  }
0x79: {  	_ =	shalt  }
0x7a: {  	_ =	shalt  }
0x7b: {  	_ =	shalt  }
0x7c: {  	_ =	shalt  }
0x7d: {  	_ =	shalt  }
0x7e: {  	_ =	shalt  }
0x7f: {  	_ =	shalt  }
0x80: {  	_ =	shalt  }
0x81: {  	_ =	shalt  }
0x82: {  	_ =	shalt  }
0x83: {  	_ =	shalt  }
0x84: {  	_ =	shalt  }
0x85: {  	_ =	shalt  }
0x86: {  	_ =	shalt  }
0x87: {  	_ =	shalt  }
.Lfunc_end0:
.L_simem_size_0:
called_computation.1_lowered:
.L_overlay_start_0:
0x88: {  	s2 =	sld [smem:$0x3FD9]  }
0x89: {  	s3 =	sld [smem:$0x3FFE];
	_ =	sdelay $0x1  }
0x8a: {  	s1 =	srdreg.scid  }
0x8b: {  	s0 =	sand.u32 $0x1, s1  }
0x8c: {  	s14 =	sshll.u32 s0, $0xA;
	s2 =	sadd.s32 s3, s2  }
0x8d: {  	s2 =	sadd.s32 s2, s14  }
0x8e: {  	[smem:$0x3FC6] =	sst s2  }
0x8f: {  	_ = 	snop  }
0x90: {  	s2 =	sld [smem:$0x3FD0];
	_ =	sdelay $0x2  }
0x91: {  	s4 =	simm.s32 $0xA;
	s5 =	simm.s32 $0x10;
	s15 =	sld [smem:$0x3FC8]  }
0x92: {  	[smem:s5], [sflag:s4] =	dma.local [hbm:s2], $0x1  }
0x93: {  	_ =	swait.eq [sflag:s4], $0x1  }
0x94: {  	[sflag:s4] =	ssyncset.done $0x0  }
0x95: {  	[sflag:s4] =	ssyncadd.s32 $0xFFFFFFFF  }
0x96: {  	s16 =	sld [smem:$0x12];
	(tm) =	ssettm $0x1  }
0x97: {  	s17 =	sld [smem:$0x3FFB];
	_ =	sdelay $0x3  }
0x98: {  	_ =	strace s17  }
0x99: {  	s4 =	sld [smem:$0x3FFC];
	_ =	sdelay $0x3  }
0x9a: {  	_ =	strace s4  }
0x9b: {  	s4 =	sld [smem:$0x3FFD];
	_ =	sdelay $0x3  }
0x9c: {  	_ =	strace s4  }
0x9d: {  	_ =	strace $0x8FFFFFFF  }
0x9e: {  	s18 =	sld [smem:$0x3FDB];
	_ =	sdelay $0x1  }
0x9f: {  	s19 =	simm.s32 $_scs_section_size  }
0xa0: {  	s6 =	simm.s32 $_size__tile_overlayer_lowered;
	s7 =	simm.s32 $_tile_overlayer_lowered  }
0xa1: {  	s22 =	simm.s32 $0x1BFF;
	s21 =	sshll.u32 s7, $0x1;
	s4 =	sadd.s32 s19, s18  }
0xa2: {  	s8 =	simm.s32 $0x0;
	s20 =	sshll.u32 s6, $0x1;
	s6 =	sadd.s32 s21, s4  }
0xa3: {  	[timem:s8], [sflag:s22] =	dma.local [hbm:s6], s20  }
0xa4: {  	_ =	swait.ge [sflag:s22], s20  }
0xa5: {  	s5 =	ssub.s32 $0x0, s20;
	[sflag:s22] =	ssyncset.done $0x0  }
0xa6: {  	[sflag:s22] =	ssyncadd.s32 s5;
	_ =	sdelay $0x1  }
0xa7: {  	s23 =	simm.s32 $0x1B8B  }
0xa8: {  	_ =	swait.ge [sflag:s23], $0x1  }
0xa9: {  	[sflag:s23] =	ssyncset.done $0x0  }
0xaa: {  	s25 =	simm.s32 $0x1B8E;
	s24 =	sld [smem:$0x3FFE];
	[sflag:s23] =	ssyncadd.s32 $0xFFFFFFFF  }
0xab: {  	s26 =	simm.s32 $execute0_lowered;
	[smem:$0x3FD2] =	sst s25  }
0xac: {  	s6 =	sshll.u32 s26, $0x1;
	_ =	strace $0x80000046;
	[dreg:$0x1] =	wrdreg $0xFFFFFFFF  }
0xad: {  	s28 =	simm.s32 $_size_execute0_lowered;
	s4 =	sadd.s32 s4, s6;
	[dreg:$0x0] =	wrdreg $0x0  }
0xae: {  	s6 =	sshll.u32 s28, $0x1;
	[dreg:$0x2] =	wrdreg s4  }
0xaf: {  	[dreg:$0x3] =	wrdreg s6  }
0xb0: {  	[dreg:$0x4] =	wrdreg $0xC0  }
0xb1: {  	_ =	task [dreg:s8], $0x5FFFF  }
0xb2: {  	[dreg:$0x1] =	wrdreg $0xFFFFFFFF  }
0xb3: {  	[dreg:$0x0] =	wrdreg $0x60  }
0xb4: {  	[dreg:$0x2] =	wrdreg s15  }
0xb5: {  	[dreg:$0x3] =	wrdreg s16  }
0xb6: {  	[dreg:$0x4] =	wrdreg s24  }
0xb7: {  	[dreg:$0x5] =	wrdreg $0x9  }
0xb8: {  	_ =	task.clear_ibuf [dreg:s8], $0x6FFFF;
	_ =	strace $0x90000046  }
0xb9: {  	s29 =	simm.s32 $0x9;
	_ =	strace $0x80000048  }
0xba: {  	_ =	swait.ge [sflag:s29], $0x1  }
0xbb: {  	[sflag:s29] =	ssyncadd.s32 $0xFFFFFFFF  }
0xbc: {  	_ =	strace $0x90000048  }
0xbd: {  	_ =	sfence  }
0xbe: {  	s30 =	sld [smem:$0x0];
	_ =	sdelay $0x2  }
0xbf: {  	s31 =	sshll.u32 s1, $0xD;
	s1 =	sshrl.u32 s1, $0x2  }
0xc0: {  	s3 =	sand.u32 $0x4000, s31;
	s1 =	sadd.s32 s1, s30  }
0xc1: {  	s0 =	sor.u32 s3, s0;
	s1 =	sshll.u32 s1, $0x11  }
0xc2: {  	s0 =	sor.u32 s1, s0  }
0xc3: {  	s0 =	sadd.s32 $0x8F2B, s0  }
0xc4: {  	[sflag:s0] =	ssyncadd.remote.s32 $0x1  }
0xc5: {  	_ =	sfence.sel $0xFFFF  }
0xc6: {  	[dreg:$0x0] =	wrdreg $0xFFFFFFFF;
	(pc) =	sbr.abs _section_cstart, $3  }
0xc7: {  	[dreg:$0x1] =	wrdreg $0xFFFFFFFF  }
0xc8: {  	_ =	task.clear_ibuf [dreg:s8], $0x2FFFF;
	_ =	strace $0x9FFFFFFF  }
0xc9: {  	(tm) =	ssettm $0x7FFFFFFF  }
tec
execute0_lowered:
.L_overlay_start_1:
0x0: {  	(tag) =	ssettag $0x1  }
0x1: {  	v0 =	vimm.s32 $0x1380  }
0x2: {  	vm14 =	vcmask $0x300;
	vm13 =	vcmask $0x704;
	vm12 =	vcmask $0xB08  }
0x3: {  	vm11 =	vcmask $0xF0C;
	vm10 =	vcmask $0x1310;
	vm9 =	vcmask $0x1714  }
0x4: {  	vm8 =	vcmask $0x1B18;
	vm7 =	vcmask $0x1F1C;
	vm6 =	vcmask $0x2320  }
0x5: {  	vm5 =	vcmask $0x2724;
	vm4 =	vcmask $0x2B28;
	vm3 =	vcmask $0x2F2C  }
0x6: {  	vm2 =	vcmask $0x3330;
	vm1 =	vcmask $0x3734;
	vm0 =	vcmask $0x3B38  }
0x7: {  	v1 =	vimm.s32 $0x3380;
	v2 =	vimm.s32 $0x5380;
	v3 =	vimm.s32 $0x7380  }
0x8: {  	v0 =	vsel vm14, $0x0, v0;
	v1 =	vsel vm14, $0x2000, v1;
	v2 =	vsel vm14, $0x4000, v2  }
0x9: {  	v3 =	vsel vm14, $0x6000, v3;
	v0 =	vsel vm13, $0x80, v0;
	v1 =	vsel vm13, $0x2080, v1  }
0xa: {  	v2 =	vsel vm13, $0x4080, v2;
	v3 =	vsel vm13, $0x6080, v3;
	v0 =	vsel vm12, $0x100, v0  }
0xb: {  	v1 =	vsel vm12, $0x2100, v1;
	v2 =	vsel vm12, $0x4100, v2;
	v3 =	vsel vm12, $0x6100, v3  }
0xc: {  	v0 =	vsel vm11, $0x180, v0;
	v1 =	vsel vm11, $0x2180, v1;
	v2 =	vsel vm11, $0x4180, v2  }
0xd: {  	v3 =	vsel vm11, $0x6180, v3;
	v0 =	vsel vm10, $0x200, v0;
	v1 =	vsel vm10, $0x2200, v1  }
0xe: {  	v2 =	vsel vm10, $0x4200, v2;
	v3 =	vsel vm10, $0x6200, v3;
	v0 =	vsel vm9, $0x280, v0  }
0xf: {  	v1 =	vsel vm9, $0x2280, v1;
	v2 =	vsel vm9, $0x4280, v2;
	v3 =	vsel vm9, $0x6280, v3  }
0x10: {  	s0 =	rddreg [dreg:$0x0];
	v0 =	vsel vm8, $0x300, v0;
	v1 =	vsel vm8, $0x2300, v1;
	v2 =	vsel vm8, $0x4300, v2  }
0x11: {  	s1 =	rddreg [dreg:$0x1];
	v3 =	vsel vm8, $0x6300, v3;
	v0 =	vsel vm7, $0x380, v0;
	v1 =	vsel vm7, $0x2380, v1  }
0x12: {  	s8 =	rddreg [dreg:$0x2];
	s4 =	srdreg.scid;
	v2 =	vsel vm7, $0x4380, v2;
	v3 =	vsel vm7, $0x6380, v3;
	v0 =	vsel vm6, $0x1000, v0  }
0x13: {  	s2 =	rddreg [dreg:$0x3];
	s3 =	simm.s32 $0x0;
	s10 =	simm.s32 $0x1;
	v1 =	vsel vm6, $0x3000, v1;
	v2 =	vsel vm6, $0x5000, v2;
	v3 =	vsel vm6, $0x7000, v3  }
0x14: {  	s11 =	simm.s32 $0x10000;
	s12 =	simm.s32 $0x2;
	s13 =	simm.s32 $0x8000;
	v0 =	vsel vm5, $0x1080, v0;
	v1 =	vsel vm5, $0x3080, v1;
	v2 =	vsel vm5, $0x5080, v2  }
0x15: {  	s14 =	simm.s32 $0x16000;
	s15 =	simm.s32 $0x3;
	s16 =	simm.s32 $0x4;
	v3 =	vsel vm5, $0x7080, v3;
	v0 =	vsel vm4, $0x1100, v0;
	v1 =	vsel vm4, $0x3100, v1  }
0x16: {  	s17 =	simm.s32 $0x0;
	[smem:$0x7FF] =	sst s3;
	s5 =	sadd.s32 $0x1400, s8;
	v2 =	vsel vm4, $0x5100, v2;
	v3 =	vsel vm4, $0x7100, v3;
	v0 =	vsel vm3, $0x1180, v0  }
.Ltmp0:
0x17: {  	s6 =	sand.u32 $0x1, s4;
	s8 =	sadd.s32 $0x7A2400, s8;
	v1 =	vsel vm3, $0x3180, v1;
	v2 =	vsel vm3, $0x5180, v2;
	v3 =	vsel vm3, $0x7180, v3;
	(pc) =	sbr.rel .LBB2_1-.Ltmp0, $4  }
0x18: {  	s4 =	stileid.u32;
	s7 =	ssub.s32 $0x2, s6;
	_ =	strace $0x80000047;
	v0 =	vsel vm2, $0x1200, v0;
	v1 =	vsel vm2, $0x3200, v1;
	v2 =	vsel vm2, $0x5200, v2  }
0x19: {  	s31 =	sshll.u32 s4, $0x1;
	p0 =	slt.u32 s4, $0x6;
	s9 =	sshrl.u32 s7, $0x1;
	v3 =	vsel vm2, $0x7200, v3;
	v0 =	vsel vm1, $0x1280, v0;
	v1 =	vsel vm1, $0x3280, v1  }
0x1a: {  	s6 =	sor.u32 s6, s31;
	s9 =	ssub.s32 s7, s9;
	s7 =	simm.s32 $0x52;
	v2 =	vsel vm1, $0x5280, v2;
	v3 =	vsel vm1, $0x7280, v3;
	v0 =	vsel vm0, $0x1300, v0  }
0x1b: {  	s7 =	simm.s32 @!p0 $0x51;
	s9 =	smax.u32 s9, $0x1;
	p0 =	sne.s32 s6, $0x1F;
	v1 =	vsel vm0, $0x3300, v1;
	v2 =	vsel vm0, $0x5300, v2;
	v3 =	vsel vm0, $0x7300, v3  }
.LBB2_11:
0x1c: {  	_ =	swait.ge [sflag:s15], $0x6000  }
0x1d: {  	[sflag:s15] =	ssyncset.done $0x0  }
0x1e: {  	[sflag:s15] =	ssyncadd.s32 $0xFFFFA000  }
0x1f: {  	_ =	swait.ge [sflag:s16], $0x6000  }
0x20: {  	s18 =	simm.s32 @!p0 $0x0;
	[sflag:s16] =	ssyncset.done $0x0  }
0x21: {  	s19 =	simm.s32 @!p0 $0x10000;
	s20 =	simm.s32 @!p0 $0x1;
	[sflag:s16] =	ssyncadd.s32 $0xFFFFA000  }
0x22: {  	[tilespmem:s19], [sflag:$0x1] =	stream.linear.gather @!p0 [hbm4b:s1+s18], $0x1000, $0x38;
	[tilespmem:$0x1C000] =	vst v63  }
0x23: {  	_ =	swait.ge @!p0 [sflag:s20], $0x1000  }
0x24: {  	s17 =	sadd.s32 $0x1, s17;
	[sflag:s20] =	ssyncset.done @!p0 $0x0  }
0x25: {  	p1 =	sne.s32 s17, s9;
	[sflag:s20] =	ssyncadd.s32 @!p0 $0xFFFFF000  }
0x26: {  	[hbm4b:s8+s18] =	stream.linear.scatter @!p0 [tilespmem:s19], [sflag:$0x3], $0x1000, $0x38;
	[tilespmem:$0x1C000] =	vst v63  }
.Ltmp1:
0x27: {  	_ = 	snop;
	(pc) =	sbr.rel @!p1 .LBB2_12-.Ltmp1, $4  }
0x28: {  	s18 =	simm.s32 @!p0 $0x3  }
0x29: {  	_ =	swait.ge @!p0 [sflag:s18], $0x1000  }
0x2a: {  	[sflag:s18] =	ssyncset.done @!p0 $0x0  }
0x2b: {  	[sflag:s18] =	ssyncadd.s32 @!p0 $0xFFFFF000  }
.LBB2_1:
.Ltmp2:
0x2c: {  	(pc) =	sbr.rel .LBB2_2-.Ltmp2, $2  }
0x2d: {  	_ =	sdelay $0x2  }
0x2e: {  	s18 =	simm.s32 $0x0  }
.LBB2_10:
0x2f: {  	s18 =	sadd.s32 $0x1, s18  }
0x30: {  	p1 =	sne.s32 s18, $0x29  }
.Ltmp3:
0x31: {  	_ = 	snop;
	(pc) =	sbr.rel @!p1 .LBB2_11-.Ltmp3, $1  }
0x32: {  	_ =	sdelay $0x3  }
.LBB2_2:
0x33: {  	s19 =	sshll.u32 s18, $0x1;
	p1 =	seq.s32 s18, $0x0  }
0x34: {  	p3 =	sge.u32 @!p1 s19, s7;
	p2 =	sge.u32 s19, s7  }
0x35: {  	p3 =	por p3, p1;
	s20 =	sshll.u32 @!p2 s18, $0x6  }
0x36: {  	s21 =	simm.s32 @!p3 $0x3;
	s20 =	sor.u32 @!p2 s6, s20  }
0x37: {  	_ =	swait.ge @!p3 [sflag:s21], $0x6000;
	s20 =	smul.u32 @!p2 $0x180, s20  }
0x38: {  	[sflag:s21] =	ssyncset.done @!p3 $0x0  }
0x39: {  	[sflag:s21] =	ssyncadd.s32 @!p3 $0xFFFFA000;
	s20 =	sadd.s32 @!p2 s0, s20;
	s21 =	simm.s32 @!p2 $0x0  }
0x3a: {  	[tilespmem:s21], [sflag:$0x1] =	stream.linear.gather @!p2 [hbm4b:s20+s21], $0xC00, $0x38;
	[tilespmem:$0x1C000] =	vst v63  }
0x3b: {  	s23 =	simm.s32 @!p2 $0x1000;
	s22 =	sadd.s32 @!p2 $0xF4280, s20  }
0x3c: {  	[tilespmem:s23], [sflag:$0x1] =	stream.linear.gather @!p2 [hbm4b:s22+s21], $0xC00, $0x38;
	[tilespmem:$0x1C000] =	vst v63  }
0x3d: {  	s22 =	sadd.s32 @!p2 $0x1E8500, s20;
	s23 =	simm.s32 @!p2 $0x2000  }
0x3e: {  	[tilespmem:s23], [sflag:$0x1] =	stream.linear.gather @!p2 [hbm4b:s22+s21], $0xC00, $0x38;
	[tilespmem:$0x1C000] =	vst v63  }
0x3f: {  	s22 =	sadd.s32 @!p2 $0x2DC780, s20;
	s23 =	simm.s32 @!p2 $0x3000  }
0x40: {  	[tilespmem:s23], [sflag:$0x1] =	stream.linear.gather @!p2 [hbm4b:s22+s21], $0xC00, $0x38;
	[tilespmem:$0x1C000] =	vst v63  }
0x41: {  	s19 =	sor.u32 $0x1, s19;
	s22 =	sadd.s32 @!p2 $0x3D0A00, s20;
	s23 =	simm.s32 @!p2 $0x4000  }
0x42: {  	[tilespmem:s23], [sflag:$0x1] =	stream.linear.gather @!p2 [hbm4b:s22+s21], $0xC00, $0x38;
	[tilespmem:$0x1C000] =	vst v63  }
0x43: {  	p3 =	sge.u32 @!p1 s19, s7;
	s22 =	sadd.s32 @!p2 $0x4C4C80, s20;
	s23 =	simm.s32 @!p2 $0x5000  }
0x44: {  	[tilespmem:s23], [sflag:$0x1] =	stream.linear.gather @!p2 [hbm4b:s22+s21], $0xC00, $0x38;
	[tilespmem:$0x1C000] =	vst v63  }
0x45: {  	p3 =	por p3, p1;
	s22 =	sadd.s32 @!p2 $0x5B8F00, s20;
	s23 =	simm.s32 @!p2 $0x6000  }
0x46: {  	[tilespmem:s23], [sflag:$0x1] =	stream.linear.gather @!p2 [hbm4b:s22+s21], $0xC00, $0x38;
	[tilespmem:$0x1C000] =	vst v63  }
0x47: {  	p1 =	sge.u32 s19, s7;
	s20 =	sadd.s32 @!p2 $0x6AD180, s20;
	s22 =	simm.s32 @!p2 $0x7000  }
0x48: {  	[tilespmem:s22], [sflag:$0x1] =	stream.linear.gather @!p2 [hbm4b:s20+s21], $0xC00, $0x38;
	[tilespmem:$0x1C000] =	vst v63  }
0x49: {  	s21 =	sshll.u32 @!p1 s19, $0x5  }
0x4a: {  	s20 =	simm.s32 @!p3 $0x4;
	s21 =	sor.u32 @!p1 s6, s21  }
0x4b: {  	_ =	swait.ge @!p3 [sflag:s20], $0x6000;
	s21 =	smul.u32 @!p1 $0x180, s21  }
0x4c: {  	s22 =	simm.s32 @!p1 $0x8000;
	[sflag:s20] =	ssyncset.done @!p3 $0x0  }
0x4d: {  	[sflag:s20] =	ssyncadd.s32 @!p3 $0xFFFFA000;
	s20 =	sadd.s32 @!p1 s0, s21;
	s21 =	simm.s32 @!p1 $0x0  }
0x4e: {  	[tilespmem:s22], [sflag:$0x2] =	stream.linear.gather @!p1 [hbm4b:s20+s21], $0xC00, $0x38;
	[tilespmem:$0x1C000] =	vst v63  }
0x4f: {  	s23 =	simm.s32 @!p1 $0x9000;
	s22 =	sadd.s32 @!p1 $0xF4280, s20  }
0x50: {  	[tilespmem:s23], [sflag:$0x2] =	stream.linear.gather @!p1 [hbm4b:s22+s21], $0xC00, $0x38;
	[tilespmem:$0x1C000] =	vst v63  }
0x51: {  	s22 =	sadd.s32 @!p1 $0x1E8500, s20;
	s23 =	simm.s32 @!p1 $0xA000  }
0x52: {  	[tilespmem:s23], [sflag:$0x2] =	stream.linear.gather @!p1 [hbm4b:s22+s21], $0xC00, $0x38;
	[tilespmem:$0x1C000] =	vst v63  }
0x53: {  	s22 =	sadd.s32 @!p1 $0x2DC780, s20;
	s23 =	simm.s32 @!p1 $0xB000  }
0x54: {  	[tilespmem:s23], [sflag:$0x2] =	stream.linear.gather @!p1 [hbm4b:s22+s21], $0xC00, $0x38;
	[tilespmem:$0x1C000] =	vst v63  }
0x55: {  	s22 =	sadd.s32 @!p1 $0x3D0A00, s20;
	s23 =	simm.s32 @!p1 $0xC000  }
0x56: {  	[tilespmem:s23], [sflag:$0x2] =	stream.linear.gather @!p1 [hbm4b:s22+s21], $0xC00, $0x38;
	[tilespmem:$0x1C000] =	vst v63  }
0x57: {  	s22 =	sadd.s32 @!p1 $0x4C4C80, s20;
	s23 =	simm.s32 @!p1 $0xD000  }
0x58: {  	[tilespmem:s23], [sflag:$0x2] =	stream.linear.gather @!p1 [hbm4b:s22+s21], $0xC00, $0x38;
	[tilespmem:$0x1C000] =	vst v63  }
.Ltmp4:
0x59: {  	_ = 	snop;
	(pc) =	sbr.rel @p2 .LBB2_6-.Ltmp4, $4  }
0x5a: {  	s22 =	sadd.s32 @!p1 $0x5B8F00, s20;
	s23 =	simm.s32 @!p1 $0xE000  }
0x5b: {  	[tilespmem:s23], [sflag:$0x2] =	stream.linear.gather @!p1 [hbm4b:s22+s21], $0xC00, $0x38;
	[tilespmem:$0x1C000] =	vst v63  }
0x5c: {  	s20 =	sadd.s32 @!p1 $0x6AD180, s20;
	s22 =	simm.s32 @!p1 $0xF000  }
0x5d: {  	[tilespmem:s22], [sflag:$0x2] =	stream.linear.gather @!p1 [hbm4b:s20+s21], $0xC00, $0x38;
	[tilespmem:$0x1C000] =	vst v63  }
0x5e: {  	s20 =	simm.s32 $0x0  }
0x5f: {  	v4 =	vmov s20  }
0x60: {  	v5 =	vshll.u32 v4, $0x3  }
0x61: {  	v4 =	vand.u32 $0x7C, v4;
	v5 =	vand.u32 $0xC00, v5  }
0x62: {  	v4 =	vor.u32 v4, v5  }
0x63: {  	v5 =	vor.u32 v0, v4;
	_ =	sdelay $0x1  }
0x64: {  	_ =	swait.ge [sflag:s10], $0x6000  }
0x65: {  	[sflag:s10] =	ssyncset.done $0x0  }
0x66: {  	[sflag:s10] =	ssyncadd.s32 $0xFFFFA000  }
0x67: {  	v5 =	vld.idx.msk [tilespmem:v5+s3+$0x0], $0xffff  }
0x68: {  	v6 =	vor.u32 v1, v4;
	_ =	sdelay $0x2  }
0x69: {  	s20 =	simm.s32 $0x10080  }
0x6a: {  	[tilespmem:s20+$0xFFFFFF80] =	vst v5  }
0x6b: {  	v5 =	vld.idx.msk [tilespmem:v6+s3+$0x0], $0xffff  }
0x6c: {  	v6 =	vor.u32 v2, v4;
	_ =	sdelay $0x3  }
0x6d: {  	[tilespmem:s20+$0xFFFFFF90] =	vst v5  }
0x6e: {  	v5 =	vld.idx.msk [tilespmem:v6+s3+$0x0], $0xffff  }
0x6f: {  	v4 =	vor.u32 v3, v4  }
0x70: {  	s21 =	simm.s32 $0x1  }
0x71: {  	v6 =	vmov s21  }
0x72: {  	v7 =	vshll.u32 v6, $0x3  }
0x73: {  	[tilespmem:s20+$0xFFFFFFA0] =	vst v5;
	v5 =	vand.u32 $0x7D, v6;
	v6 =	vand.u32 $0xC00, v7  }
0x74: {  	v4 =	vld.idx.msk [tilespmem:v4+s3+$0x0], $0xffff;
	v5 =	vor.u32 v5, v6  }
0x75: {  	v6 =	vor.u32 v0, v5;
	_ =	sdelay $0x3  }
0x76: {  	[tilespmem:s20+$0xFFFFFFB0] =	vst v4  }
0x77: {  	v4 =	vld.idx.msk [tilespmem:v6+s3+$0x0], $0xffff  }
0x78: {  	v6 =	vor.u32 v1, v5;
	_ =	sdelay $0x3  }
0x79: {  	[tilespmem:s20+$0xFFFFFFC0] =	vst v4  }
0x7a: {  	v4 =	vld.idx.msk [tilespmem:v6+s3+$0x0], $0xffff  }
0x7b: {  	v6 =	vor.u32 v2, v5;
	_ =	sdelay $0x3  }
0x7c: {  	[tilespmem:s20+$0xFFFFFFD0] =	vst v4  }
0x7d: {  	v4 =	vld.idx.msk [tilespmem:v6+s3+$0x0], $0xffff  }
0x7e: {  	v5 =	vor.u32 v3, v5  }
0x7f: {  	s30 =	simm.s32 $0x2  }
0x80: {  	v6 =	vmov s30  }
0x81: {  	v7 =	vshll.u32 v6, $0x3  }
0x82: {  	[tilespmem:s20+$0xFFFFFFE0] =	vst v4;
	v4 =	vand.u32 $0x7E, v6;
	v6 =	vand.u32 $0x7FFFFC00, v7  }
0x83: {  	v5 =	vld.idx.msk [tilespmem:v5+s3+$0x0], $0xffff;
	v4 =	vor.u32 v4, v6  }
0x84: {  	v6 =	vadd.s32 v0, v4;
	_ =	sdelay $0x3  }
0x85: {  	[tilespmem:s20+$0xFFFFFFF0] =	vst v5  }
0x86: {  	v5 =	vld.idx.msk [tilespmem:v6+s3+$0x0], $0xffff  }
0x87: {  	v6 =	vadd.s32 v1, v4;
	_ =	sdelay $0x3  }
0x88: {  	[tilespmem:s20+$0x0] =	vst v5  }
0x89: {  	v5 =	vld.idx.msk [tilespmem:v6+s3+$0x0], $0xffff  }
0x8a: {  	v6 =	vadd.s32 v2, v4;
	_ =	sdelay $0x3  }
0x8b: {  	[tilespmem:s20+$0x10] =	vst v5  }
0x8c: {  	v5 =	vld.idx.msk [tilespmem:v6+s3+$0x0], $0xffff  }
0x8d: {  	v4 =	vadd.s32 v3, v4  }
0x8e: {  	s31 =	simm.s32 $0x3  }
0x8f: {  	v6 =	vmov s31  }
0x90: {  	v7 =	vshll.u32 v6, $0x3  }
0x91: {  	[tilespmem:s20+$0x20] =	vst v5;
	v5 =	vand.u32 $0x7F, v6;
	v6 =	vand.u32 $0x7FFFFC00, v7  }
0x92: {  	v4 =	vld.idx.msk [tilespmem:v4+s3+$0x0], $0xffff;
	v6 =	vor.u32 v5, v6  }
0x93: {  	v5 =	vadd.s32 v0, v6;
	_ =	sdelay $0x3  }
0x94: {  	[tilespmem:s20+$0x30] =	vst v4  }
0x95: {  	v4 =	vld.idx.msk [tilespmem:v5+s3+$0x0], $0xffff  }
0x96: {  	v5 =	vadd.s32 v1, v6;
	_ =	sdelay $0x3  }
0x97: {  	[tilespmem:s20+$0x40] =	vst v4  }
0x98: {  	v4 =	vld.idx.msk [tilespmem:v5+s3+$0x0], $0xffff  }
0x99: {  	v5 =	vadd.s32 v2, v6;
	_ =	sdelay $0x3  }
0x9a: {  	[tilespmem:s20+$0x50] =	vst v4  }
0x9b: {  	v5 =	vld.idx.msk [tilespmem:v5+s3+$0x0], $0xffff  }
0x9c: {  	v4 =	vadd.s32 v3, v6;
	_ =	sdelay $0x1  }
0x9d: {  	s23 =	simm.s32 $0x4;
	s22 =	simm.s32 $0xB;
	s21 =	simm.s32 $0x7  }
.LBB2_4:
0x9e: {  	p2 =	sne.s32 s22, $0x17F;
	v6 =	vmov s23  }
0x9f: {  	v7 =	vshll.u32 v6, $0x3;
	[tilespmem:s20+$0x60] =	vst v5  }
0xa0: {  	v5 =	vand.u32 $0x7C, v6;
	v6 =	vand.u32 $0xC00, v7;
	v4 =	vld.idx.msk [tilespmem:v4+s3+$0x0], $0xffff  }
0xa1: {  	v5 =	vor.u32 v5, v6  }
0xa2: {  	v6 =	vor.u32 v0, v5;
	_ =	sdelay $0x3  }
0xa3: {  	[tilespmem:s20+$0x70] =	vst v4  }
0xa4: {  	v4 =	vld.idx.msk [tilespmem:v6+s3+$0x0], $0xffff;
	_ =	sdelay $0x1  }
0xa5: {  	v6 =	vor.u32 v1, v5;
	_ =	sdelay $0x2  }
0xa6: {  	s20 =	sadd.s32 $0x100, s20  }
0xa7: {  	[tilespmem:s20+$0xFFFFFF80] =	vst v4  }
0xa8: {  	v4 =	vld.idx.msk [tilespmem:v6+s3+$0x0], $0xffff;
	_ =	sdelay $0x1  }
0xa9: {  	v6 =	vor.u32 v2, v5;
	_ =	sdelay $0x3  }
0xaa: {  	[tilespmem:s20+$0xFFFFFF90] =	vst v4  }
0xab: {  	v4 =	vld.idx.msk [tilespmem:v6+s3+$0x0], $0xffff;
	_ =	sdelay $0x1  }
0xac: {  	v5 =	vor.u32 v3, v5;
	_ =	sdelay $0x1  }
0xad: {  	s23 =	sadd.s32 $0xFFFFFFFE, s21  }
0xae: {  	v6 =	vmov s23  }
0xaf: {  	[tilespmem:s20+$0xFFFFFFA0] =	vst v4;
	v4 =	vshll.u32 v6, $0x3  }
0xb0: {  	v6 =	vand.u32 $0x7D, v6;
	v5 =	vld.idx.msk [tilespmem:v5+s3+$0x0], $0xffff;
	v4 =	vand.u32 $0xC00, v4  }
0xb1: {  	v4 =	vor.u32 v6, v4  }
0xb2: {  	v6 =	vor.u32 v0, v4;
	_ =	sdelay $0x3  }
0xb3: {  	[tilespmem:s20+$0xFFFFFFB0] =	vst v5  }
0xb4: {  	v5 =	vld.idx.msk [tilespmem:v6+s3+$0x0], $0xffff;
	_ =	sdelay $0x1  }
0xb5: {  	v6 =	vor.u32 v1, v4;
	_ =	sdelay $0x3  }
0xb6: {  	[tilespmem:s20+$0xFFFFFFC0] =	vst v5  }
0xb7: {  	v5 =	vld.idx.msk [tilespmem:v6+s3+$0x0], $0xffff;
	_ =	sdelay $0x1  }
0xb8: {  	v6 =	vor.u32 v2, v4;
	_ =	sdelay $0x3  }
0xb9: {  	[tilespmem:s20+$0xFFFFFFD0] =	vst v5  }
0xba: {  	v5 =	vld.idx.msk [tilespmem:v6+s3+$0x0], $0xffff;
	_ =	sdelay $0x1  }
0xbb: {  	v4 =	vor.u32 v3, v4;
	_ =	sdelay $0x1  }
0xbc: {  	s23 =	sadd.s32 $0xFFFFFFFF, s21  }
0xbd: {  	v6 =	vmov s23  }
0xbe: {  	[tilespmem:s20+$0xFFFFFFE0] =	vst v5;
	v5 =	vshll.u32 v6, $0x3  }
0xbf: {  	v6 =	vand.u32 $0x7E, v6;
	v4 =	vld.idx.msk [tilespmem:v4+s3+$0x0], $0xffff;
	v5 =	vand.u32 $0x7FFFFC00, v5  }
0xc0: {  	v5 =	vor.u32 v6, v5  }
0xc1: {  	v6 =	vadd.s32 v0, v5;
	_ =	sdelay $0x3  }
0xc2: {  	[tilespmem:s20+$0xFFFFFFF0] =	vst v4  }
0xc3: {  	v4 =	vld.idx.msk [tilespmem:v6+s3+$0x0], $0xffff;
	_ =	sdelay $0x1  }
0xc4: {  	v6 =	vadd.s32 v1, v5;
	_ =	sdelay $0x3  }
0xc5: {  	[tilespmem:s20+$0x0] =	vst v4  }
0xc6: {  	v4 =	vld.idx.msk [tilespmem:v6+s3+$0x0], $0xffff;
	_ =	sdelay $0x1  }
0xc7: {  	v6 =	vadd.s32 v2, v5;
	_ =	sdelay $0x3  }
0xc8: {  	[tilespmem:s20+$0x10] =	vst v4  }
0xc9: {  	v4 =	vld.idx.msk [tilespmem:v6+s3+$0x0], $0xffff;
	_ =	sdelay $0x1  }
0xca: {  	v5 =	vadd.s32 v3, v5;
	_ =	sdelay $0x2  }
0xcb: {  	v6 =	vmov s21;
	s21 =	smov.u32 s22  }
0xcc: {  	[tilespmem:s20+$0x20] =	vst v4;
	v4 =	vshll.u32 v6, $0x3  }
0xcd: {  	v6 =	vand.u32 $0x7F, v6;
	v5 =	vld.idx.msk [tilespmem:v5+s3+$0x0], $0xffff;
	v4 =	vand.u32 $0x7FFFFC00, v4  }
0xce: {  	v4 =	vor.u32 v6, v4  }
0xcf: {  	v6 =	vadd.s32 v0, v4;
	_ =	sdelay $0x3  }
0xd0: {  	[tilespmem:s20+$0x30] =	vst v5  }
0xd1: {  	v5 =	vld.idx.msk [tilespmem:v6+s3+$0x0], $0xffff;
	_ =	sdelay $0x1  }
0xd2: {  	v6 =	vadd.s32 v1, v4;
	_ =	sdelay $0x3  }
0xd3: {  	[tilespmem:s20+$0x40] =	vst v5  }
0xd4: {  	v5 =	vld.idx.msk [tilespmem:v6+s3+$0x0], $0xffff;
	_ =	sdelay $0x1  }
0xd5: {  	v6 =	vadd.s32 v2, v4;
	_ =	sdelay $0x3  }
0xd6: {  	[tilespmem:s20+$0x50] =	vst v5  }
.Ltmp5:
0xd7: {  	v5 =	vld.idx.msk [tilespmem:v6+s3+$0x0], $0xffff;
	(pc) =	sbr.rel @p2 .LBB2_4-.Ltmp5, $3  }
0xd8: {  	_ = 	snop  }
0xd9: {  	v4 =	vadd.s32 v3, v4;
	_ =	sdelay $0x1  }
0xda: {  	s22 =	sadd.s32 $0x4, s22;
	s23 =	sadd.s32 $0xFFFFFFFD, s21  }
0xdb: {  	_ = 	snop  }
0xdc: {  	v6 =	vmov s23  }
0xdd: {  	v7 =	vshll.u32 v6, $0x3  }
0xde: {  	[tilespmem:s20+$0x60] =	vst v5;
	v5 =	vand.u32 $0x7C, v6;
	v46 =	vand.u32 $0xC00, v7  }
0xdf: {  	v4 =	vld.idx.msk [tilespmem:v4+s3+$0x0], $0xffff;
	v5 =	vor.u32 v5, v46  }
0xe0: {  	v6 =	vor.u32 v0, v5;
	_ =	sdelay $0x3  }
0xe1: {  	[tilespmem:s20+$0x70] =	vst v4  }
0xe2: {  	v4 =	vld.idx.msk [tilespmem:v6+s3+$0x0], $0xffff  }
0xe3: {  	v47 =	vor.u32 v1, v5;
	_ =	sdelay $0x2  }
0xe4: {  	s28 =	sadd.s32 $0x100, s20  }
0xe5: {  	[tilespmem:s28+$0xFFFFFF80] =	vst v4  }
0xe6: {  	v4 =	vld.idx.msk [tilespmem:v47+s3+$0x0], $0xffff  }
0xe7: {  	v48 =	vor.u32 v2, v5;
	_ =	sdelay $0x3  }
0xe8: {  	[tilespmem:s28+$0xFFFFFF90] =	vst v4  }
0xe9: {  	v4 =	vld.idx.msk [tilespmem:v48+s3+$0x0], $0xffff  }
0xea: {  	v5 =	vor.u32 v3, v5  }
0xeb: {  	s22 =	sadd.s32 $0xFFFFFFFE, s21  }
0xec: {  	v49 =	vmov s22  }
0xed: {  	v50 =	vshll.u32 v49, $0x3  }
0xee: {  	v51 =	vand.u32 $0xC00, v50;
	[tilespmem:s28+$0xFFFFFFA0] =	vst v4;
	v4 =	vand.u32 $0x7D, v49  }
0xef: {  	v5 =	vld.idx.msk [tilespmem:v5+s3+$0x0], $0xffff;
	v4 =	vor.u32 v4, v51  }
0xf0: {  	v6 =	vor.u32 v0, v4;
	_ =	sdelay $0x3  }
0xf1: {  	[tilespmem:s28+$0xFFFFFFB0] =	vst v5  }
0xf2: {  	v5 =	vld.idx.msk [tilespmem:v6+s3+$0x0], $0xffff  }
0xf3: {  	v52 =	vor.u32 v1, v4;
	_ =	sdelay $0x3  }
0xf4: {  	[tilespmem:s28+$0xFFFFFFC0] =	vst v5  }
0xf5: {  	v5 =	vld.idx.msk [tilespmem:v52+s3+$0x0], $0xffff  }
0xf6: {  	v53 =	vor.u32 v2, v4;
	_ =	sdelay $0x3  }
0xf7: {  	[tilespmem:s28+$0xFFFFFFD0] =	vst v5  }
0xf8: {  	v5 =	vld.idx.msk [tilespmem:v53+s3+$0x0], $0xffff  }
0xf9: {  	v4 =	vor.u32 v3, v4  }
0xfa: {  	s29 =	sadd.s32 $0xFFFFFFFF, s21  }
0xfb: {  	v54 =	vmov s29  }
0xfc: {  	v55 =	vshll.u32 v54, $0x3  }
0xfd: {  	v56 =	vand.u32 $0x7FFFFC00, v55;
	[tilespmem:s28+$0xFFFFFFE0] =	vst v5;
	v5 =	vand.u32 $0x7E, v54  }
0xfe: {  	v4 =	vld.idx.msk [tilespmem:v4+s3+$0x0], $0xffff;
	v5 =	vor.u32 v5, v56  }
0xff: {  	v6 =	vadd.s32 v0, v5;
	_ =	sdelay $0x3  }
0x100: {  	[tilespmem:s28+$0xFFFFFFF0] =	vst v4  }
0x101: {  	v4 =	vld.idx.msk [tilespmem:v6+s3+$0x0], $0xffff  }
0x102: {  	v57 =	vadd.s32 v1, v5;
	_ =	sdelay $0x3  }
0x103: {  	[tilespmem:s28+$0x0] =	vst v4  }
0x104: {  	v4 =	vld.idx.msk [tilespmem:v57+s3+$0x0], $0xffff  }
0x105: {  	v58 =	vadd.s32 v2, v5;
	_ =	sdelay $0x3  }
0x106: {  	[tilespmem:s28+$0x10] =	vst v4  }
0x107: {  	v4 =	vld.idx.msk [tilespmem:v58+s3+$0x0], $0xffff  }
0x108: {  	v5 =	vadd.s32 v3, v5;
	_ =	sdelay $0x1  }
0x109: {  	v59 =	vmov s21  }
0x10a: {  	v60 =	vshll.u32 v59, $0x3  }
0x10b: {  	v61 =	vand.u32 $0x7FFFFC00, v60;
	[tilespmem:s28+$0x20] =	vst v4;
	v4 =	vand.u32 $0x7F, v59  }
0x10c: {  	v5 =	vld.idx.msk [tilespmem:v5+s3+$0x0], $0xffff;
	v4 =	vor.u32 v4, v61  }
0x10d: {  	v6 =	vadd.s32 v0, v4;
	_ =	sdelay $0x3  }
0x10e: {  	[tilespmem:s28+$0x30] =	vst v5  }
0x10f: {  	v5 =	vld.idx.msk [tilespmem:v6+s3+$0x0], $0xffff  }
0x110: {  	v62 =	vadd.s32 v1, v4;
	_ =	sdelay $0x3  }
0x111: {  	[tilespmem:s28+$0x40] =	vst v5  }
0x112: {  	v5 =	vld.idx.msk [tilespmem:v62+s3+$0x0], $0xffff  }
0x113: {  	v63 =	vadd.s32 v2, v4;
	_ =	sdelay $0x3  }
0x114: {  	[tilespmem:s28+$0x50] =	vst v5  }
0x115: {  	v5 =	vld.idx.msk [tilespmem:v63+s3+$0x0], $0xffff  }
0x116: {  	v4 =	vadd.s32 v3, v4;
	_ =	sdelay $0x3  }
0x117: {  	[tilespmem:s28+$0x60] =	vst v5  }
0x118: {  	v4 =	vld.idx.msk [tilespmem:v4+s3+$0x0], $0xffff  }
0x119: {  	s30 =	sshll.u32 s18, $0x6  }
0x11a: {  	s21 =	sor.u32 s6, s30  }
0x11b: {  	s21 =	smul.u32 $0xC00, s21;
	_ =	sdelay $0x1  }
0x11c: {  	s31 =	sadd.s32 s5, s21;
	[tilespmem:s28+$0x70] =	vst v4  }
0x11d: {  	[hbm4b:s31+s3] =	stream.linear.scatter [tilespmem:s11], [sflag:$0x3], $0x6000, $0x38;
	[tilespmem:$0x1C000] =	vst v63  }
.LBB2_6:
.Ltmp6:
0x11e: {  	(pc) =	sbr.rel @p1 .LBB2_10-.Ltmp6, $1  }
0x11f: {  	_ =	sdelay $0x3  }
0x120: {  	s20 =	simm.s32 $0x0  }
0x121: {  	v4 =	vmov s20  }
0x122: {  	v5 =	vshll.u32 v4, $0x3  }
0x123: {  	v4 =	vand.u32 $0x7C, v4;
	v5 =	vand.u32 $0xC00, v5  }
0x124: {  	v4 =	vor.u32 v4, v5  }
0x125: {  	v5 =	vor.u32 v0, v4;
	_ =	sdelay $0x1  }
0x126: {  	_ =	swait.ge [sflag:s12], $0x6000  }
0x127: {  	[sflag:s12] =	ssyncset.done $0x0  }
0x128: {  	[sflag:s12] =	ssyncadd.s32 $0xFFFFA000  }
0x129: {  	v5 =	vld.idx.msk [tilespmem:v5+s13+$0x0], $0xffff  }
0x12a: {  	v6 =	vor.u32 v1, v4;
	_ =	sdelay $0x2  }
0x12b: {  	s20 =	simm.s32 $0x16080  }
0x12c: {  	[tilespmem:s20+$0xFFFFFF80] =	vst v5  }
0x12d: {  	v5 =	vld.idx.msk [tilespmem:v6+s13+$0x0], $0xffff  }
0x12e: {  	v6 =	vor.u32 v2, v4;
	_ =	sdelay $0x3  }
0x12f: {  	[tilespmem:s20+$0xFFFFFF90] =	vst v5  }
0x130: {  	v5 =	vld.idx.msk [tilespmem:v6+s13+$0x0], $0xffff  }
0x131: {  	v4 =	vor.u32 v3, v4  }
0x132: {  	s21 =	simm.s32 $0x1  }
0x133: {  	v6 =	vmov s21  }
0x134: {  	v7 =	vshll.u32 v6, $0x3  }
0x135: {  	[tilespmem:s20+$0xFFFFFFA0] =	vst v5;
	v5 =	vand.u32 $0x7D, v6;
	v6 =	vand.u32 $0xC00, v7  }
0x136: {  	v4 =	vld.idx.msk [tilespmem:v4+s13+$0x0], $0xffff;
	v5 =	vor.u32 v5, v6  }
0x137: {  	v6 =	vor.u32 v0, v5;
	_ =	sdelay $0x3  }
0x138: {  	[tilespmem:s20+$0xFFFFFFB0] =	vst v4  }
0x139: {  	v4 =	vld.idx.msk [tilespmem:v6+s13+$0x0], $0xffff  }
0x13a: {  	v6 =	vor.u32 v1, v5;
	_ =	sdelay $0x3  }
0x13b: {  	[tilespmem:s20+$0xFFFFFFC0] =	vst v4  }
0x13c: {  	v4 =	vld.idx.msk [tilespmem:v6+s13+$0x0], $0xffff  }
0x13d: {  	v6 =	vor.u32 v2, v5;
	_ =	sdelay $0x3  }
0x13e: {  	[tilespmem:s20+$0xFFFFFFD0] =	vst v4  }
0x13f: {  	v4 =	vld.idx.msk [tilespmem:v6+s13+$0x0], $0xffff  }
0x140: {  	v5 =	vor.u32 v3, v5  }
0x141: {  	s30 =	simm.s32 $0x2  }
0x142: {  	v6 =	vmov s30  }
0x143: {  	v7 =	vshll.u32 v6, $0x3  }
0x144: {  	[tilespmem:s20+$0xFFFFFFE0] =	vst v4;
	v4 =	vand.u32 $0x7E, v6;
	v6 =	vand.u32 $0x7FFFFC00, v7  }
0x145: {  	v5 =	vld.idx.msk [tilespmem:v5+s13+$0x0], $0xffff;
	v4 =	vor.u32 v4, v6  }
0x146: {  	v6 =	vadd.s32 v0, v4;
	_ =	sdelay $0x3  }
0x147: {  	[tilespmem:s20+$0xFFFFFFF0] =	vst v5  }
0x148: {  	v5 =	vld.idx.msk [tilespmem:v6+s13+$0x0], $0xffff  }
0x149: {  	v6 =	vadd.s32 v1, v4;
	_ =	sdelay $0x3  }
0x14a: {  	[tilespmem:s20+$0x0] =	vst v5  }
0x14b: {  	v5 =	vld.idx.msk [tilespmem:v6+s13+$0x0], $0xffff  }
0x14c: {  	v6 =	vadd.s32 v2, v4;
	_ =	sdelay $0x3  }
0x14d: {  	[tilespmem:s20+$0x10] =	vst v5  }
0x14e: {  	v5 =	vld.idx.msk [tilespmem:v6+s13+$0x0], $0xffff  }
0x14f: {  	v4 =	vadd.s32 v3, v4  }
0x150: {  	s31 =	simm.s32 $0x3  }
0x151: {  	v6 =	vmov s31  }
0x152: {  	v7 =	vshll.u32 v6, $0x3  }
0x153: {  	[tilespmem:s20+$0x20] =	vst v5;
	v5 =	vand.u32 $0x7F, v6;
	v6 =	vand.u32 $0x7FFFFC00, v7  }
0x154: {  	v4 =	vld.idx.msk [tilespmem:v4+s13+$0x0], $0xffff;
	v6 =	vor.u32 v5, v6  }
0x155: {  	v5 =	vadd.s32 v0, v6;
	_ =	sdelay $0x3  }
0x156: {  	[tilespmem:s20+$0x30] =	vst v4  }
0x157: {  	v4 =	vld.idx.msk [tilespmem:v5+s13+$0x0], $0xffff  }
0x158: {  	v5 =	vadd.s32 v1, v6;
	_ =	sdelay $0x3  }
0x159: {  	[tilespmem:s20+$0x40] =	vst v4  }
0x15a: {  	v4 =	vld.idx.msk [tilespmem:v5+s13+$0x0], $0xffff  }
0x15b: {  	v5 =	vadd.s32 v2, v6;
	_ =	sdelay $0x3  }
0x15c: {  	[tilespmem:s20+$0x50] =	vst v4  }
0x15d: {  	v5 =	vld.idx.msk [tilespmem:v5+s13+$0x0], $0xffff  }
0x15e: {  	v4 =	vadd.s32 v3, v6;
	_ =	sdelay $0x1  }
0x15f: {  	s23 =	simm.s32 $0x4;
	s22 =	simm.s32 $0xB;
	s21 =	simm.s32 $0x7  }
.LBB2_8:
0x160: {  	p1 =	sne.s32 s22, $0x17F;
	v6 =	vmov s23  }
0x161: {  	v7 =	vshll.u32 v6, $0x3;
	[tilespmem:s20+$0x60] =	vst v5  }
0x162: {  	v5 =	vand.u32 $0x7C, v6;
	v6 =	vand.u32 $0xC00, v7;
	v4 =	vld.idx.msk [tilespmem:v4+s13+$0x0], $0xffff  }
0x163: {  	v5 =	vor.u32 v5, v6  }
0x164: {  	v6 =	vor.u32 v0, v5;
	_ =	sdelay $0x3  }
0x165: {  	[tilespmem:s20+$0x70] =	vst v4  }
0x166: {  	v4 =	vld.idx.msk [tilespmem:v6+s13+$0x0], $0xffff;
	_ =	sdelay $0x1  }
0x167: {  	v6 =	vor.u32 v1, v5;
	_ =	sdelay $0x2  }
0x168: {  	s20 =	sadd.s32 $0x100, s20  }
0x169: {  	[tilespmem:s20+$0xFFFFFF80] =	vst v4  }
0x16a: {  	v4 =	vld.idx.msk [tilespmem:v6+s13+$0x0], $0xffff;
	_ =	sdelay $0x1  }
0x16b: {  	v6 =	vor.u32 v2, v5;
	_ =	sdelay $0x3  }
0x16c: {  	[tilespmem:s20+$0xFFFFFF90] =	vst v4  }
0x16d: {  	v4 =	vld.idx.msk [tilespmem:v6+s13+$0x0], $0xffff;
	_ =	sdelay $0x1  }
0x16e: {  	v5 =	vor.u32 v3, v5;
	_ =	sdelay $0x1  }
0x16f: {  	s23 =	sadd.s32 $0xFFFFFFFE, s21  }
0x170: {  	v6 =	vmov s23  }
0x171: {  	[tilespmem:s20+$0xFFFFFFA0] =	vst v4;
	v4 =	vshll.u32 v6, $0x3  }
0x172: {  	v6 =	vand.u32 $0x7D, v6;
	v5 =	vld.idx.msk [tilespmem:v5+s13+$0x0], $0xffff;
	v4 =	vand.u32 $0xC00, v4  }
0x173: {  	v4 =	vor.u32 v6, v4  }
0x174: {  	v6 =	vor.u32 v0, v4;
	_ =	sdelay $0x3  }
0x175: {  	[tilespmem:s20+$0xFFFFFFB0] =	vst v5  }
0x176: {  	v5 =	vld.idx.msk [tilespmem:v6+s13+$0x0], $0xffff;
	_ =	sdelay $0x1  }
0x177: {  	v6 =	vor.u32 v1, v4;
	_ =	sdelay $0x3  }
0x178: {  	[tilespmem:s20+$0xFFFFFFC0] =	vst v5  }
0x179: {  	v5 =	vld.idx.msk [tilespmem:v6+s13+$0x0], $0xffff;
	_ =	sdelay $0x1  }
0x17a: {  	v6 =	vor.u32 v2, v4;
	_ =	sdelay $0x3  }
0x17b: {  	[tilespmem:s20+$0xFFFFFFD0] =	vst v5  }
0x17c: {  	v5 =	vld.idx.msk [tilespmem:v6+s13+$0x0], $0xffff;
	_ =	sdelay $0x1  }
0x17d: {  	v4 =	vor.u32 v3, v4;
	_ =	sdelay $0x1  }
0x17e: {  	s23 =	sadd.s32 $0xFFFFFFFF, s21  }
0x17f: {  	v6 =	vmov s23  }
0x180: {  	[tilespmem:s20+$0xFFFFFFE0] =	vst v5;
	v5 =	vshll.u32 v6, $0x3  }
0x181: {  	v6 =	vand.u32 $0x7E, v6;
	v4 =	vld.idx.msk [tilespmem:v4+s13+$0x0], $0xffff;
	v5 =	vand.u32 $0x7FFFFC00, v5  }
0x182: {  	v5 =	vor.u32 v6, v5  }
0x183: {  	v6 =	vadd.s32 v0, v5;
	_ =	sdelay $0x3  }
0x184: {  	[tilespmem:s20+$0xFFFFFFF0] =	vst v4  }
0x185: {  	v4 =	vld.idx.msk [tilespmem:v6+s13+$0x0], $0xffff;
	_ =	sdelay $0x1  }
0x186: {  	v6 =	vadd.s32 v1, v5;
	_ =	sdelay $0x3  }
0x187: {  	[tilespmem:s20+$0x0] =	vst v4  }
0x188: {  	v4 =	vld.idx.msk [tilespmem:v6+s13+$0x0], $0xffff;
	_ =	sdelay $0x1  }
0x189: {  	v6 =	vadd.s32 v2, v5;
	_ =	sdelay $0x3  }
0x18a: {  	[tilespmem:s20+$0x10] =	vst v4  }
0x18b: {  	v4 =	vld.idx.msk [tilespmem:v6+s13+$0x0], $0xffff;
	_ =	sdelay $0x1  }
0x18c: {  	v5 =	vadd.s32 v3, v5;
	_ =	sdelay $0x2  }
0x18d: {  	v6 =	vmov s21;
	s21 =	smov.u32 s22  }
0x18e: {  	[tilespmem:s20+$0x20] =	vst v4;
	v4 =	vshll.u32 v6, $0x3  }
0x18f: {  	v6 =	vand.u32 $0x7F, v6;
	v5 =	vld.idx.msk [tilespmem:v5+s13+$0x0], $0xffff;
	v4 =	vand.u32 $0x7FFFFC00, v4  }
0x190: {  	v4 =	vor.u32 v6, v4  }
0x191: {  	v6 =	vadd.s32 v0, v4;
	_ =	sdelay $0x3  }
0x192: {  	[tilespmem:s20+$0x30] =	vst v5  }
0x193: {  	v5 =	vld.idx.msk [tilespmem:v6+s13+$0x0], $0xffff;
	_ =	sdelay $0x1  }
0x194: {  	v6 =	vadd.s32 v1, v4;
	_ =	sdelay $0x3  }
0x195: {  	[tilespmem:s20+$0x40] =	vst v5  }
0x196: {  	v5 =	vld.idx.msk [tilespmem:v6+s13+$0x0], $0xffff;
	_ =	sdelay $0x1  }
0x197: {  	v6 =	vadd.s32 v2, v4;
	_ =	sdelay $0x3  }
0x198: {  	[tilespmem:s20+$0x50] =	vst v5  }
.Ltmp7:
0x199: {  	v5 =	vld.idx.msk [tilespmem:v6+s13+$0x0], $0xffff;
	(pc) =	sbr.rel @p1 .LBB2_8-.Ltmp7, $3  }
0x19a: {  	_ = 	snop  }
0x19b: {  	v4 =	vadd.s32 v3, v4;
	_ =	sdelay $0x1  }
0x19c: {  	s22 =	sadd.s32 $0x4, s22;
	s23 =	sadd.s32 $0xFFFFFFFD, s21  }
0x19d: {  	_ = 	snop  }
0x19e: {  	v6 =	vmov s23  }
0x19f: {  	v7 =	vshll.u32 v6, $0x3  }
0x1a0: {  	[tilespmem:s20+$0x60] =	vst v5;
	v5 =	vand.u32 $0x7C, v6;
	v46 =	vand.u32 $0xC00, v7  }
0x1a1: {  	v4 =	vld.idx.msk [tilespmem:v4+s13+$0x0], $0xffff;
	v5 =	vor.u32 v5, v46  }
0x1a2: {  	v6 =	vor.u32 v0, v5;
	_ =	sdelay $0x3  }
0x1a3: {  	[tilespmem:s20+$0x70] =	vst v4  }
0x1a4: {  	v4 =	vld.idx.msk [tilespmem:v6+s13+$0x0], $0xffff  }
0x1a5: {  	v47 =	vor.u32 v1, v5;
	_ =	sdelay $0x2  }
0x1a6: {  	s30 =	sadd.s32 $0x100, s20  }
0x1a7: {  	[tilespmem:s30+$0xFFFFFF80] =	vst v4  }
0x1a8: {  	v4 =	vld.idx.msk [tilespmem:v47+s13+$0x0], $0xffff  }
0x1a9: {  	v48 =	vor.u32 v2, v5;
	_ =	sdelay $0x3  }
0x1aa: {  	[tilespmem:s30+$0xFFFFFF90] =	vst v4  }
0x1ab: {  	v4 =	vld.idx.msk [tilespmem:v48+s13+$0x0], $0xffff  }
0x1ac: {  	v5 =	vor.u32 v3, v5  }
0x1ad: {  	s22 =	sadd.s32 $0xFFFFFFFE, s21  }
0x1ae: {  	v49 =	vmov s22  }
0x1af: {  	v50 =	vshll.u32 v49, $0x3  }
0x1b0: {  	v51 =	vand.u32 $0xC00, v50;
	[tilespmem:s30+$0xFFFFFFA0] =	vst v4;
	v4 =	vand.u32 $0x7D, v49  }
0x1b1: {  	v5 =	vld.idx.msk [tilespmem:v5+s13+$0x0], $0xffff;
	v4 =	vor.u32 v4, v51  }
0x1b2: {  	v6 =	vor.u32 v0, v4;
	_ =	sdelay $0x3  }
0x1b3: {  	[tilespmem:s30+$0xFFFFFFB0] =	vst v5  }
0x1b4: {  	v5 =	vld.idx.msk [tilespmem:v6+s13+$0x0], $0xffff  }
0x1b5: {  	v52 =	vor.u32 v1, v4;
	_ =	sdelay $0x3  }
0x1b6: {  	[tilespmem:s30+$0xFFFFFFC0] =	vst v5  }
0x1b7: {  	v5 =	vld.idx.msk [tilespmem:v52+s13+$0x0], $0xffff  }
0x1b8: {  	v53 =	vor.u32 v2, v4;
	_ =	sdelay $0x3  }
0x1b9: {  	[tilespmem:s30+$0xFFFFFFD0] =	vst v5  }
0x1ba: {  	v5 =	vld.idx.msk [tilespmem:v53+s13+$0x0], $0xffff  }
0x1bb: {  	v4 =	vor.u32 v3, v4  }
0x1bc: {  	s31 =	sadd.s32 $0xFFFFFFFF, s21  }
0x1bd: {  	v54 =	vmov s31  }
0x1be: {  	v55 =	vshll.u32 v54, $0x3  }
0x1bf: {  	v56 =	vand.u32 $0x7FFFFC00, v55;
	[tilespmem:s30+$0xFFFFFFE0] =	vst v5;
	v5 =	vand.u32 $0x7E, v54  }
0x1c0: {  	v4 =	vld.idx.msk [tilespmem:v4+s13+$0x0], $0xffff;
	v5 =	vor.u32 v5, v56  }
0x1c1: {  	v6 =	vadd.s32 v0, v5;
	_ =	sdelay $0x3  }
0x1c2: {  	[tilespmem:s30+$0xFFFFFFF0] =	vst v4  }
0x1c3: {  	v4 =	vld.idx.msk [tilespmem:v6+s13+$0x0], $0xffff  }
0x1c4: {  	v57 =	vadd.s32 v1, v5;
	_ =	sdelay $0x3  }
0x1c5: {  	[tilespmem:s30+$0x0] =	vst v4  }
0x1c6: {  	v4 =	vld.idx.msk [tilespmem:v57+s13+$0x0], $0xffff  }
0x1c7: {  	v58 =	vadd.s32 v2, v5;
	_ =	sdelay $0x3  }
0x1c8: {  	[tilespmem:s30+$0x10] =	vst v4  }
0x1c9: {  	v4 =	vld.idx.msk [tilespmem:v58+s13+$0x0], $0xffff  }
0x1ca: {  	v5 =	vadd.s32 v3, v5;
	_ =	sdelay $0x1  }
0x1cb: {  	v59 =	vmov s21  }
0x1cc: {  	v60 =	vshll.u32 v59, $0x3  }
0x1cd: {  	v61 =	vand.u32 $0x7FFFFC00, v60;
	[tilespmem:s30+$0x20] =	vst v4;
	v4 =	vand.u32 $0x7F, v59  }
0x1ce: {  	v5 =	vld.idx.msk [tilespmem:v5+s13+$0x0], $0xffff;
	v4 =	vor.u32 v4, v61  }
0x1cf: {  	v6 =	vadd.s32 v0, v4;
	_ =	sdelay $0x3  }
0x1d0: {  	[tilespmem:s30+$0x30] =	vst v5  }
0x1d1: {  	v5 =	vld.idx.msk [tilespmem:v6+s13+$0x0], $0xffff  }
0x1d2: {  	v62 =	vadd.s32 v1, v4;
	_ =	sdelay $0x3  }
0x1d3: {  	[tilespmem:s30+$0x40] =	vst v5  }
0x1d4: {  	v5 =	vld.idx.msk [tilespmem:v62+s13+$0x0], $0xffff  }
0x1d5: {  	v63 =	vadd.s32 v2, v4;
	_ =	sdelay $0x3  }
0x1d6: {  	[tilespmem:s30+$0x50] =	vst v5  }
0x1d7: {  	v5 =	vld.idx.msk [tilespmem:v63+s13+$0x0], $0xffff  }
0x1d8: {  	v4 =	vadd.s32 v3, v4;
	_ =	sdelay $0x3  }
0x1d9: {  	[tilespmem:s30+$0x60] =	vst v5  }
0x1da: {  	v4 =	vld.idx.msk [tilespmem:v4+s13+$0x0], $0xffff  }
0x1db: {  	s19 =	sshll.u32 s19, $0x5  }
.Ltmp8:
0x1dc: {  	s19 =	sor.u32 s6, s19;
	(pc) =	sbr.rel .LBB2_10-.Ltmp8, $3  }
0x1dd: {  	s19 =	smul.u32 $0xC00, s19;
	_ =	sdelay $0x1  }
0x1de: {  	s19 =	sadd.s32 s5, s19;
	[tilespmem:s30+$0x70] =	vst v4  }
0x1df: {  	[hbm4b:s19+s3] =	stream.linear.scatter [tilespmem:s14], [sflag:$0x4], $0x6000, $0x38;
	[tilespmem:$0x1C000] =	vst v63  }
.LBB2_12:
0x1e0: {  	_ =	sfence.sel $0x180000  }
0x1e1: {  	[bflag:$0x0] =	sbarrier.arrive $0xFFFF  }
0x1e2: {  	p0 =	sne.s32 s4, $0x0;
	_ =	strace $0x90000047  }
0x1e3: {  	s0 =	sadd.s32 @!p0 $0x100000, s2;
	[bflag:$0x2] =	sbarrier.arrive $0xFFFF  }
0x1e4: {  	[sflag:s0] =	ssyncadd.tile.s32 @!p0 $0x1;
	_ =	shalt  }
.Lfunc_end2:
_tile_overlayer_lowered:
.L_overlay_start_2:
0x1e5: {  	(tag) =	ssettag $0x2  }
0x1e6: {  	s0 =	rddreg [dreg:$0x0];
	s2 =	stileid.u32  }
0x1e7: {  	s1 =	rddreg [dreg:$0x1];
	p0 =	sne.s32 s2, $0x0  }
0x1e8: {  	s3 =	rddreg [dreg:$0x2];
	[bflag:$0x3] =	sbarrier.arrive $0xFFFF;
	s2 =	simm.s32 @!p0 $0x1C05  }
0x1e9: {  	[timem:s3], [sflag:s2] =	dma.local @!p0 [hbm:s0], s1  }
0x1ea: {  	s0 =	simm.s32 @!p0 $0x5  }
0x1eb: {  	_ =	swait.ge @!p0 [sflag:s0], s1  }
0x1ec: {  	s1 =	ssub.s32 @!p0 $0x0, s1;
	[sflag:s0] =	ssyncset.done @!p0 $0x0  }
0x1ed: {  	[sflag:s0] =	ssyncadd.s32 @!p0 s1  }
0x1ee: {  	[bflag:$0x3] =	sbarrier.arrive $0xFFFF  }
0x1ef: {  	_ =	shalt  }

// kernel: kernel.8.cloned.1.call-start
scs
__scs_entry_jumppad:
0x0: {  	(pc) =	sbr.rel $0x88, $3  }
0x1: {  	(tag) =	ssettag $0x0;
	lr =	simm.s32 $0x1  }
0x2: {  	[smem:$0x3F9F] =	sst lr;
	_ =	strace $0xD0000000  }
0x3: {  	_ = 	snop  }
0x4: {  	_ = 	snop  }
0x5: {  	_ = 	snop  }
0x6: {  	_ = 	snop  }
0x7: {  	_ = 	snop  }
__scs_overlays_trampoline_lowered:
0x8: {  	[smem:$0x3FAE] =	sst s0  }
0x9: {  	[smem:$0x3FAF] =	sst s1  }
0xa: {  	[smem:$0x3FB0] =	sst s2  }
0xb: {  	[smem:$0x3FB1] =	sst s3  }
0xc: {  	[smem:$0x3FB2] =	sst s4  }
0xd: {  	[smem:$0x3FB3] =	sst s5  }
0xe: {  	[smem:$0x3FB4] =	sst s6  }
0xf: {  	[smem:$0x3FB5] =	sst s7  }
0x10: {  	[smem:$0x3FB6] =	sst s8  }
0x11: {  	[smem:$0x3FB7] =	sst s9;
	s0 =	simm.s32 @!p0 $0x0  }
0x12: {  	s1 =	sld [smem:$0x3F9D];
	s0 =	simm.s32 @p0 $0x1  }
0x13: {  	[smem:$0x3FB8] =	sst s0;
	s0 =	simm.s32 @!p1 $0x0  }
0x14: {  	s2 =	sld [smem:$0x3F9C];
	s0 =	simm.s32 @p1 $0x1  }
0x15: {  	[smem:$0x3FB9] =	sst s0;
	s0 =	simm.s32 @!p2 $0x0  }
0x16: {  	s3 =	sld [smem:$0x3FDB];
	s0 =	simm.s32 @p2 $0x1  }
0x17: {  	s4 =	simm.s32 $0x1BF5;
	[smem:$0x3FBB] =	sst s0  }
0x18: {  	s0 =	sld [smem:$0x3F9E];
	_ =	swait.ge [sflag:s4], $0x0  }
0x19: {  	s7 =	sld [smem:$0x3F9F]  }
0x1a: {  	s8 =	sadd.s32 $0xFFFFE003, lr  }
0x1b: {  	s9 =	sadd.s32 $0xFFFFFEF7, lr;
	s5 =	simm.s32 $0xFFFFFFFF;
	p2 =	slt.u32 s8, $0xFFFFF086  }
0x1c: {  	p1 =	slt.u32 s9, $0xF7A;
	s5 =	simm.s32 @!p2 $0x0  }
0x1d: {  	s5 =	simm.s32 @p1 $0x1;
	p0 =	seq.s32 s7, s2  }
0x1e: {  	s7 =	smul.u32 @!p0 $0xF7A, s2;
	p2 =	seq.s32 @!p0 s5, $0x0  }
0x1f: {  	s9 =	smul.u32 $0xF7A, s1;
	s8 =	simm.s32 @!p0 $0x1BF5;
	p2 =	por !p2, p0  }
0x20: {  	[sflag:s8] =	ssyncset.s32 @!p0 $0xFFFFF086;
	s6 =	sadd.s32 @!p0 s3, s7;
	s7 =	simm.s32 @!p0 $0x108  }
0x21: {  	s3 =	sadd.s32 s3, s9;
	s6 =	sadd.s32 @!p0 $0x88, s6;
	s7 =	simm.s32 @p2 $0x1082  }
0x22: {  	[simem:s7], [sflag:s8] =	dma.local @!p0 [hbm:s6], $0xF7A  }
0x23: {  	s9 =	sor.u32 $0xD0000000, s2;
	s6 =	simm.s32 $0x108;
	_ =	swait.ge @!p0 [sflag:s8], $0x0  }
0x24: {  	s3 =	sadd.s32 $0x88, s3;
	s6 =	simm.s32 @!p1 $0x1082;
	[sflag:s4] =	ssyncset.s32 $0xFFFFF086  }
0x25: {  	[simem:s6], [sflag:s4] =	dma.local [hbm:s3], $0xF7A  }
0x26: {  	[smem:$0x3F9F] =	sst s1;
	(tag) =	ssettag s2;
	_ =	strace s9  }
0x27: {  	s1 =	sld [smem:$0x3FAF]  }
0x28: {  	s2 =	sld [smem:$0x3FB0]  }
0x29: {  	s4 =	sld [smem:$0x3FB2]  }
0x2a: {  	p0 =	seq.s32 s5, $0x0;
	s5 =	sld [smem:$0x3FB3]  }
0x2b: {  	s6 =	sld [smem:$0x3FB4]  }
0x2c: {  	s7 =	sld [smem:$0x3FB5]  }
0x2d: {  	s3 =	simm.s32 $0x108;
	s8 =	sld [smem:$0x3FB6]  }
0x2e: {  	s3 =	simm.s32 @!p0 $0x1082;
	s9 =	sld [smem:$0x3FB7]  }
0x2f: {  	lr =	sadd.s32 s0, s3;
	s0 =	sld [smem:$0x3FAE]  }
0x30: {  	s3 =	sld [smem:$0x3FB1]  }
0x31: {  	[smem:$0x3FBA] =	sst s10  }
0x32: {  	s10 =	sld [smem:$0x3FB8];
	_ =	sdelay $0x3  }
0x33: {  	p0 =	seq.s32 s10, $0x1;
	s10 =	sld [smem:$0x3FBA];
	_ =	sdelay $0x3  }
0x34: {  	[smem:$0x3FBA] =	sst s10  }
0x35: {  	s10 =	sld [smem:$0x3FB9];
	_ =	sdelay $0x3  }
0x36: {  	p1 =	seq.s32 s10, $0x1;
	s10 =	sld [smem:$0x3FBA];
	_ =	sdelay $0x3  }
0x37: {  	[smem:$0x3FBA] =	sst s10  }
0x38: {  	s10 =	sld [smem:$0x3FBB]  }
0x39: {  	_ = 	snop;
	(pc) =	sbr.ind lr, $3  }
0x3a: {  	_ = 	snop  }
0x3b: {  	_ = 	snop  }
0x3c: {  	p2 =	seq.s32 s10, $0x1;
	s10 =	sld [smem:$0x3FBA]  }
0x3d: {  	_ =	shalt  }
0x3e: {  	_ =	shalt  }
0x3f: {  	_ =	shalt  }
0x40: {  	_ =	shalt  }
0x41: {  	_ =	shalt  }
0x42: {  	_ =	shalt  }
0x43: {  	_ =	shalt  }
0x44: {  	_ =	shalt  }
0x45: {  	_ =	shalt  }
0x46: {  	_ =	shalt  }
0x47: {  	_ =	shalt  }
0x48: {  	_ =	shalt  }
0x49: {  	_ =	shalt  }
0x4a: {  	_ =	shalt  }
0x4b: {  	_ =	shalt  }
0x4c: {  	_ =	shalt  }
0x4d: {  	_ =	shalt  }
0x4e: {  	_ =	shalt  }
0x4f: {  	_ =	shalt  }
0x50: {  	_ =	shalt  }
0x51: {  	_ =	shalt  }
0x52: {  	_ =	shalt  }
0x53: {  	_ =	shalt  }
0x54: {  	_ =	shalt  }
0x55: {  	_ =	shalt  }
0x56: {  	_ =	shalt  }
0x57: {  	_ =	shalt  }
0x58: {  	_ =	shalt  }
0x59: {  	_ =	shalt  }
0x5a: {  	_ =	shalt  }
0x5b: {  	_ =	shalt  }
0x5c: {  	_ =	shalt  }
0x5d: {  	_ =	shalt  }
0x5e: {  	_ =	shalt  }
0x5f: {  	_ =	shalt  }
0x60: {  	_ =	shalt  }
0x61: {  	_ =	shalt  }
0x62: {  	_ =	shalt  }
0x63: {  	_ =	shalt  }
0x64: {  	_ =	shalt  }
0x65: {  	_ =	shalt  }
0x66: {  	_ =	shalt  }
0x67: {  	_ =	shalt  }
0x68: {  	_ =	shalt  }
0x69: {  	_ =	shalt  }
0x6a: {  	_ =	shalt  }
0x6b: {  	_ =	shalt  }
0x6c: {  	_ =	shalt  }
0x6d: {  	_ =	shalt  }
0x6e: {  	_ =	shalt  }
0x6f: {  	_ =	shalt  }
0x70: {  	_ =	shalt  }
0x71: {  	_ =	shalt  }
0x72: {  	_ =	shalt  }
0x73: {  	_ =	shalt  }
0x74: {  	_ =	shalt  }
0x75: {  	_ =	shalt  }
0x76: {  	_ =	shalt  }
0x77: {  	_ =	shalt  }
0x78: {  	_ =	shalt  }
0x79: {  	_ =	shalt  }
0x7a: {  	_ =	shalt  }
0x7b: {  	_ =	shalt  }
0x7c: {  	_ =	shalt  }
0x7d: {  	_ =	shalt  }
0x7e: {  	_ =	shalt  }
0x7f: {  	_ =	shalt  }
0x80: {  	_ =	shalt  }
0x81: {  	_ =	shalt  }
0x82: {  	_ =	shalt  }
0x83: {  	_ =	shalt  }
0x84: {  	_ =	shalt  }
0x85: {  	_ =	shalt  }
0x86: {  	_ =	shalt  }
0x87: {  	_ =	shalt  }
.Lfunc_end0:
.L_simem_size_0:
called_computation.2_lowered:
.L_overlay_start_0:
0x88: {  	s2 =	sld [smem:$0x3FD9]  }
0x89: {  	s3 =	sld [smem:$0x3FFE];
	_ =	sdelay $0x1  }
0x8a: {  	s1 =	srdreg.scid  }
0x8b: {  	s0 =	sand.u32 $0x1, s1  }
0x8c: {  	s14 =	sshll.u32 s0, $0xA;
	s2 =	sadd.s32 s3, s2  }
0x8d: {  	s2 =	sadd.s32 s2, s14  }
0x8e: {  	[smem:$0x3FC6] =	sst s2  }
0x8f: {  	_ = 	snop  }
0x90: {  	s2 =	sld [smem:$0x3FD0];
	_ =	sdelay $0x2  }
0x91: {  	s15 =	simm.s32 $0xA;
	s4 =	simm.s32 $0x10  }
0x92: {  	[smem:s4], [sflag:s15] =	dma.local [hbm:s2], $0x1  }
0x93: {  	_ =	swait.eq [sflag:s15], $0x1  }
0x94: {  	[sflag:s15] =	ssyncset.done $0x0  }
0x95: {  	[sflag:s15] =	ssyncadd.s32 $0xFFFFFFFF  }
0x96: {  	s16 =	sld [smem:$0x10];
	(tm) =	ssettm $0x1  }
0x97: {  	s17 =	sld [smem:$0x3FFB];
	_ =	sdelay $0x3  }
0x98: {  	_ =	strace s17  }
0x99: {  	s3 =	sld [smem:$0x3FFC];
	_ =	sdelay $0x3  }
0x9a: {  	_ =	strace s3  }
0x9b: {  	s3 =	sld [smem:$0x3FFD];
	_ =	sdelay $0x3  }
0x9c: {  	_ =	strace s3  }
0x9d: {  	_ =	strace $0x8FFFFFFF  }
0x9e: {  	s18 =	sld [smem:$0x3FDB];
	_ =	sdelay $0x1  }
0x9f: {  	s19 =	simm.s32 $_scs_section_size  }
0xa0: {  	s5 =	simm.s32 $_size__tile_overlayer_lowered;
	s6 =	simm.s32 $_tile_overlayer_lowered  }
0xa1: {  	s22 =	simm.s32 $0x1BFF;
	s21 =	sshll.u32 s6, $0x1;
	s3 =	sadd.s32 s19, s18  }
0xa2: {  	s7 =	simm.s32 $0x0;
	s20 =	sshll.u32 s5, $0x1;
	s5 =	sadd.s32 s21, s3  }
0xa3: {  	[timem:s7], [sflag:s22] =	dma.local [hbm:s5], s20  }
0xa4: {  	_ =	swait.ge [sflag:s22], s20  }
0xa5: {  	s4 =	ssub.s32 $0x0, s20;
	[sflag:s22] =	ssyncset.done $0x0  }
0xa6: {  	[sflag:s22] =	ssyncadd.s32 s4;
	_ =	sdelay $0x1  }
0xa7: {  	s23 =	simm.s32 $0x1B8B  }
0xa8: {  	_ =	swait.ge [sflag:s23], $0x1  }
0xa9: {  	[sflag:s23] =	ssyncset.done $0x0  }
0xaa: {  	s25 =	simm.s32 $0x1B8E;
	s24 =	sld [smem:$0x3FFE];
	[sflag:s23] =	ssyncadd.s32 $0xFFFFFFFF  }
0xab: {  	s26 =	simm.s32 $execute0_lowered;
	[smem:$0x3FD2] =	sst s25  }
0xac: {  	s5 =	sshll.u32 s26, $0x1;
	_ =	strace $0x80000049;
	[dreg:$0x1] =	wrdreg $0xFFFFFFFF  }
0xad: {  	s28 =	simm.s32 $_size_execute0_lowered;
	s3 =	sadd.s32 s3, s5;
	[dreg:$0x0] =	wrdreg $0x0  }
0xae: {  	s5 =	sshll.u32 s28, $0x1;
	[dreg:$0x2] =	wrdreg s3  }
0xaf: {  	[dreg:$0x3] =	wrdreg s5  }
0xb0: {  	[dreg:$0x4] =	wrdreg $0xC0  }
0xb1: {  	_ =	task [dreg:s7], $0x5FFFF  }
0xb2: {  	[dreg:$0x1] =	wrdreg $0xFFFFFFFF  }
0xb3: {  	[dreg:$0x0] =	wrdreg $0x60  }
0xb4: {  	[dreg:$0x2] =	wrdreg s24  }
0xb5: {  	[dreg:$0x3] =	wrdreg s16  }
0xb6: {  	[dreg:$0x4] =	wrdreg $0x9  }
0xb7: {  	_ =	task.clear_ibuf [dreg:s7], $0x5FFFF;
	_ =	strace $0x90000049  }
0xb8: {  	s29 =	simm.s32 $0x9;
	_ =	strace $0x8000004B  }
0xb9: {  	_ =	swait.ge [sflag:s29], $0x1  }
0xba: {  	[sflag:s29] =	ssyncadd.s32 $0xFFFFFFFF  }
0xbb: {  	_ =	strace $0x9000004B  }
0xbc: {  	_ =	sfence  }
0xbd: {  	s30 =	sld [smem:$0x0];
	_ =	sdelay $0x2  }
0xbe: {  	s31 =	sshll.u32 s1, $0xD;
	s1 =	sshrl.u32 s1, $0x2  }
0xbf: {  	s3 =	sand.u32 $0x4000, s31;
	s1 =	sadd.s32 s1, s30  }
0xc0: {  	s0 =	sor.u32 s3, s0;
	s1 =	sshll.u32 s1, $0x11  }
0xc1: {  	s0 =	sor.u32 s1, s0  }
0xc2: {  	s0 =	sadd.s32 $0x8F2B, s0  }
0xc3: {  	[sflag:s0] =	ssyncadd.remote.s32 $0x1  }
0xc4: {  	_ =	sfence.sel $0xFFFF  }
0xc5: {  	[dreg:$0x0] =	wrdreg $0xFFFFFFFF;
	(pc) =	sbr.abs _section_cstart, $3  }
0xc6: {  	[dreg:$0x1] =	wrdreg $0xFFFFFFFF  }
0xc7: {  	_ =	task.clear_ibuf [dreg:s7], $0x2FFFF;
	_ =	strace $0x9FFFFFFF  }
0xc8: {  	(tm) =	ssettm $0x7FFFFFFF  }
0xc9: {  	_ =	shalt  }
tec
execute0_lowered:
.L_overlay_start_1:
0x0: {  	(tag) =	ssettag $0x1  }
0x1: {  	s1 =	srdreg.scid;
	s0 =	stileid.u32  }
0x2: {  	s26 =	sand.u32 $0x1, s1;
	s31 =	sshll.u32 s0, $0x1  }
0x3: {  	s12 =	sor.u32 s26, s31  }
0x4: {  	s5 =	rddreg [dreg:$0x0];
	s3 =	smul.u32 $0x320, s12  }
0x5: {  	s14 =	rddreg [dreg:$0x1];
	s2 =	simm.s32 $0x0  }
0x6: {  	s4 =	simm.s32 $0x5;
	[smem:$0x7FF] =	sst s2;
	s3 =	sadd.s32 s3, s5  }
0x7: {  	s1 =	rddreg [dreg:$0x2];
	_ =	strace $0x8000004A;
	s3 =	sadd.s32 $0x7AA800, s3  }
0x8: {  	[tilespmem:s2], [sflag:$0x5] =	stream.linear.gather [hbm4b:s3+s2], $0x1900, $0x38;
	[tilespmem:$0x1A900] =	vst v63  }
0x9: {  	_ =	swait.ge [sflag:s4], $0x1900  }
0xa: {  	s6 =	simm.s32 $0x320;
	[sflag:s4] =	ssyncset.done $0x0  }
0xb: {  	s7 =	simm.s32 $0x1900;
	s5 =	sadd.s32 $0x1400, s5;
	[sflag:s4] =	ssyncadd.s32 $0xFFFFE700  }
0xc: {  	[tilespmem:s7], [sflag:$0x1] =	stream.indirect.gather [hbm4b:s5+s6], $0x40, s2, s6, $0xb8;
	[tilespmem:$0x1A900] =	vst v63  }
0xd: {  	s8 =	simm.s32 $0xE100;
	s9 =	simm.s32 $0x1  }
0xe: {  	[tilespmem:s8], [sflag:$0x2] =	stream.indirect.gather [hbm4b:s5+s6], $0x40, s6, s6, $0xb8;
	[tilespmem:$0x1A900] =	vst v63  }
0xf: {  	s10 =	smul.u32 $0xC800, s12;
	_ =	swait.ge [sflag:s9], $0xC800  }
0x10: {  	[sflag:s9] =	ssyncset.done $0x0  }
0x11: {  	s11 =	simm.s32 $0x3;
	s10 =	sadd.s32 s14, s10;
	[sflag:s9] =	ssyncadd.s32 $0xFFFF3800  }
0x12: {  	[hbm4b:s10+s2] =	stream.linear.scatter [tilespmem:s7], [sflag:$0x3], $0xC800, $0x38;
	[tilespmem:$0x1A900] =	vst v63  }
0x13: {  	_ =	swait.ge [sflag:s11], $0xC800  }
0x14: {  	s13 =	simm.s32 $0x2;
	[sflag:s11] =	ssyncset.done $0x0  }
0x15: {  	s15 =	smul.u32 $0x64000, s12;
	s12 =	simm.s32 $0x640;
	[sflag:s11] =	ssyncadd.s32 $0xFFFF3800  }
0x16: {  	[tilespmem:s7], [sflag:$0x1] =	stream.indirect.gather [hbm4b:s5+s6], $0x40, s12, s6, $0xb8;
	[tilespmem:$0x1A900] =	vst v63  }
0x17: {  	s15 =	sshrl.u32 s15, $0x3;
	_ =	swait.ge [sflag:s13], $0xC800  }
0x18: {  	s28 =	sadd.s32 s14, s15;
	[sflag:s13] =	ssyncset.done $0x0  }
0x19: {  	s14 =	simm.s32 $0x4;
	s15 =	sadd.s32 $0x1900, s28;
	[sflag:s13] =	ssyncadd.s32 $0xFFFF3800  }
0x1a: {  	[hbm4b:s15+s2] =	stream.linear.scatter [tilespmem:s8], [sflag:$0x4], $0xC800, $0x38;
	[tilespmem:$0x1A900] =	vst v63  }
0x1b: {  	_ =	swait.ge [sflag:s14], $0xC800  }
0x1c: {  	[sflag:s14] =	ssyncset.done $0x0  }
0x1d: {  	s16 =	simm.s32 $0x960;
	[sflag:s14] =	ssyncadd.s32 $0xFFFF3800  }
0x1e: {  	[tilespmem:s8], [sflag:$0x2] =	stream.indirect.gather [hbm4b:s5+s6], $0x40, s16, s6, $0xb8;
	[tilespmem:$0x1A900] =	vst v63  }
0x1f: {  	_ =	swait.ge [sflag:s9], $0xC800  }
0x20: {  	[sflag:s9] =	ssyncset.done $0x0  }
0x21: {  	s17 =	sadd.s32 $0x3200, s28;
	[sflag:s9] =	ssyncadd.s32 $0xFFFF3800  }
0x22: {  	[hbm4b:s17+s2] =	stream.linear.scatter [tilespmem:s7], [sflag:$0x3], $0xC800, $0x38;
	[tilespmem:$0x1A900] =	vst v63  }
0x23: {  	_ =	swait.ge [sflag:s11], $0xC800  }
0x24: {  	[sflag:s11] =	ssyncset.done $0x0  }
0x25: {  	s18 =	simm.s32 $0xC80;
	[sflag:s11] =	ssyncadd.s32 $0xFFFF3800  }
0x26: {  	[tilespmem:s7], [sflag:$0x1] =	stream.indirect.gather [hbm4b:s5+s6], $0x40, s18, s6, $0xb8;
	[tilespmem:$0x1A900] =	vst v63  }
0x27: {  	_ =	swait.ge [sflag:s13], $0xC800  }
0x28: {  	[sflag:s13] =	ssyncset.done $0x0  }
0x29: {  	s19 =	sadd.s32 $0x4B00, s28;
	[sflag:s13] =	ssyncadd.s32 $0xFFFF3800  }
0x2a: {  	[hbm4b:s19+s2] =	stream.linear.scatter [tilespmem:s8], [sflag:$0x4], $0xC800, $0x38;
	[tilespmem:$0x1A900] =	vst v63  }
0x2b: {  	_ =	swait.ge [sflag:s14], $0xC800  }
0x2c: {  	[sflag:s14] =	ssyncset.done $0x0  }
0x2d: {  	s20 =	simm.s32 $0xFA0;
	[sflag:s14] =	ssyncadd.s32 $0xFFFF3800  }
0x2e: {  	[tilespmem:s8], [sflag:$0x2] =	stream.indirect.gather [hbm4b:s5+s6], $0x40, s20, s6, $0xb8;
	[tilespmem:$0x1A900] =	vst v63  }
0x2f: {  	_ =	swait.ge [sflag:s9], $0xC800  }
0x30: {  	[sflag:s9] =	ssyncset.done $0x0  }
0x31: {  	s21 =	sadd.s32 $0x6400, s28;
	[sflag:s9] =	ssyncadd.s32 $0xFFFF3800  }
0x32: {  	[hbm4b:s21+s2] =	stream.linear.scatter [tilespmem:s7], [sflag:$0x3], $0xC800, $0x38;
	[tilespmem:$0x1A900] =	vst v63  }
0x33: {  	_ =	swait.ge [sflag:s11], $0xC800  }
0x34: {  	[sflag:s11] =	ssyncset.done $0x0  }
0x35: {  	s22 =	simm.s32 $0x12C0;
	[sflag:s11] =	ssyncadd.s32 $0xFFFF3800  }
0x36: {  	[tilespmem:s7], [sflag:$0x1] =	stream.indirect.gather [hbm4b:s5+s6], $0x40, s22, s6, $0xb8;
	[tilespmem:$0x1A900] =	vst v63  }
0x37: {  	_ =	swait.ge [sflag:s13], $0xC800  }
0x38: {  	[sflag:s13] =	ssyncset.done $0x0  }
0x39: {  	s23 =	sadd.s32 $0x7D00, s28;
	[sflag:s13] =	ssyncadd.s32 $0xFFFF3800  }
0x3a: {  	[hbm4b:s23+s2] =	stream.linear.scatter [tilespmem:s8], [sflag:$0x4], $0xC800, $0x38;
	[tilespmem:$0x1A900] =	vst v63  }
0x3b: {  	_ =	swait.ge [sflag:s14], $0xC800  }
0x3c: {  	[sflag:s14] =	ssyncset.done $0x0  }
0x3d: {  	s24 =	simm.s32 $0x15E0;
	[sflag:s14] =	ssyncadd.s32 $0xFFFF3800  }
0x3e: {  	[tilespmem:s8], [sflag:$0x2] =	stream.indirect.gather [hbm4b:s5+s6], $0x40, s24, s6, $0xb8;
	[tilespmem:$0x1A900] =	vst v63  }
0x3f: {  	_ =	swait.ge [sflag:s9], $0xC800  }
0x40: {  	s29 =	ssub.s32 $0x2, s26;
	s25 =	sadd.s32 $0x9600, s28;
	[sflag:s9] =	ssyncset.done $0x0  }
0x41: {  	s26 =	sadd.s32 $0xAF00, s28;
	s28 =	sshrl.u32 s29, $0x1;
	[sflag:s9] =	ssyncadd.s32 $0xFFFF3800  }
0x42: {  	[hbm4b:s25+s2] =	stream.linear.scatter [tilespmem:s7], [sflag:$0x3], $0xC800, $0x38;
	[tilespmem:$0x1A900] =	vst v63  }
0x43: {  	s28 =	ssub.s32 s29, s28;
	_ =	swait.ge [sflag:s13], $0xC800  }
0x44: {  	s28 =	smax.u32 s28, $0x1;
	[sflag:s13] =	ssyncset.done $0x0  }
0x45: {  	p0 =	sne.s32 s28, $0x1;
	[sflag:s13] =	ssyncadd.s32 $0xFFFF3800  }
0x46: {  	[hbm4b:s26+s2] =	stream.linear.scatter [tilespmem:s8], [sflag:$0x4], $0xC800, $0x38;
	[tilespmem:$0x1A900] =	vst v63  }
.Ltmp0:
0x47: {  	_ =	swait.ge [sflag:s11], $0xC800;
	(pc) =	sbr.rel @!p0 .LBB2_2-.Ltmp0, $4  }
0x48: {  	[sflag:s11] =	ssyncset.done $0x0  }
0x49: {  	[sflag:s11] =	ssyncadd.s32 $0xFFFF3800  }
0x4a: {  	_ =	swait.ge [sflag:s14], $0xC800  }
0x4b: {  	s28 =	sadd.s32 $0xFFFFFFFF, s28;
	[sflag:s14] =	ssyncset.done $0x0  }
.LBB2_1:
0x4c: {  	p0 =	sne.s32 s28, $0x1;
	s28 =	sadd.s32 $0xFFFFFFFF, s28;
	[sflag:s14] =	ssyncadd.s32 $0xFFFF3800  }
0x4d: {  	[tilespmem:s2], [sflag:$0x5] =	stream.linear.gather [hbm4b:s3+s2], $0x1900, $0x38;
	[tilespmem:$0x1A900] =	vst v63  }
0x4e: {  	_ =	swait.ge [sflag:s4], $0x1900  }
0x4f: {  	[sflag:s4] =	ssyncset.done $0x0  }
0x50: {  	[sflag:s4] =	ssyncadd.s32 $0xFFFFE700  }
0x51: {  	[tilespmem:s7], [sflag:$0x1] =	stream.indirect.gather [hbm4b:s5+s6], $0x40, s2, s6, $0xb8;
	[tilespmem:$0x1A900] =	vst v63  }
0x52: {  	_ = 	snop  }
0x53: {  	[tilespmem:s8], [sflag:$0x2] =	stream.indirect.gather [hbm4b:s5+s6], $0x40, s6, s6, $0xb8;
	[tilespmem:$0x1A900] =	vst v63  }
0x54: {  	_ =	swait.ge [sflag:s9], $0xC800  }
0x55: {  	[sflag:s9] =	ssyncset.done $0x0  }
0x56: {  	[sflag:s9] =	ssyncadd.s32 $0xFFFF3800  }
0x57: {  	[hbm4b:s10+s2] =	stream.linear.scatter [tilespmem:s7], [sflag:$0x3], $0xC800, $0x38;
	[tilespmem:$0x1A900] =	vst v63  }
0x58: {  	_ =	swait.ge [sflag:s11], $0xC800  }
0x59: {  	[sflag:s11] =	ssyncset.done $0x0  }
0x5a: {  	[sflag:s11] =	ssyncadd.s32 $0xFFFF3800  }
0x5b: {  	[tilespmem:s7], [sflag:$0x1] =	stream.indirect.gather [hbm4b:s5+s6], $0x40, s12, s6, $0xb8;
	[tilespmem:$0x1A900] =	vst v63  }
0x5c: {  	_ =	swait.ge [sflag:s13], $0xC800  }
0x5d: {  	[sflag:s13] =	ssyncset.done $0x0  }
0x5e: {  	[sflag:s13] =	ssyncadd.s32 $0xFFFF3800  }
0x5f: {  	[hbm4b:s15+s2] =	stream.linear.scatter [tilespmem:s8], [sflag:$0x4], $0xC800, $0x38;
	[tilespmem:$0x1A900] =	vst v63  }
0x60: {  	_ =	swait.ge [sflag:s14], $0xC800  }
0x61: {  	[sflag:s14] =	ssyncset.done $0x0  }
0x62: {  	[sflag:s14] =	ssyncadd.s32 $0xFFFF3800  }
0x63: {  	[tilespmem:s8], [sflag:$0x2] =	stream.indirect.gather [hbm4b:s5+s6], $0x40, s16, s6, $0xb8;
	[tilespmem:$0x1A900] =	vst v63  }
0x64: {  	_ =	swait.ge [sflag:s9], $0xC800  }
0x65: {  	[sflag:s9] =	ssyncset.done $0x0  }
0x66: {  	[sflag:s9] =	ssyncadd.s32 $0xFFFF3800  }
0x67: {  	[hbm4b:s17+s2] =	stream.linear.scatter [tilespmem:s7], [sflag:$0x3], $0xC800, $0x38;
	[tilespmem:$0x1A900] =	vst v63  }
0x68: {  	_ =	swait.ge [sflag:s11], $0xC800  }
0x69: {  	[sflag:s11] =	ssyncset.done $0x0  }
0x6a: {  	[sflag:s11] =	ssyncadd.s32 $0xFFFF3800  }
0x6b: {  	[tilespmem:s7], [sflag:$0x1] =	stream.indirect.gather [hbm4b:s5+s6], $0x40, s18, s6, $0xb8;
	[tilespmem:$0x1A900] =	vst v63  }
0x6c: {  	_ =	swait.ge [sflag:s13], $0xC800  }
0x6d: {  	[sflag:s13] =	ssyncset.done $0x0  }
0x6e: {  	[sflag:s13] =	ssyncadd.s32 $0xFFFF3800  }
0x6f: {  	[hbm4b:s19+s2] =	stream.linear.scatter [tilespmem:s8], [sflag:$0x4], $0xC800, $0x38;
	[tilespmem:$0x1A900] =	vst v63  }
0x70: {  	_ =	swait.ge [sflag:s14], $0xC800  }
0x71: {  	[sflag:s14] =	ssyncset.done $0x0  }
0x72: {  	[sflag:s14] =	ssyncadd.s32 $0xFFFF3800  }
0x73: {  	[tilespmem:s8], [sflag:$0x2] =	stream.indirect.gather [hbm4b:s5+s6], $0x40, s20, s6, $0xb8;
	[tilespmem:$0x1A900] =	vst v63  }
0x74: {  	_ =	swait.ge [sflag:s9], $0xC800  }
0x75: {  	[sflag:s9] =	ssyncset.done $0x0  }
0x76: {  	[sflag:s9] =	ssyncadd.s32 $0xFFFF3800  }
0x77: {  	[hbm4b:s21+s2] =	stream.linear.scatter [tilespmem:s7], [sflag:$0x3], $0xC800, $0x38;
	[tilespmem:$0x1A900] =	vst v63  }
0x78: {  	_ =	swait.ge [sflag:s11], $0xC800  }
0x79: {  	[sflag:s11] =	ssyncset.done $0x0  }
0x7a: {  	[sflag:s11] =	ssyncadd.s32 $0xFFFF3800  }
0x7b: {  	[tilespmem:s7], [sflag:$0x1] =	stream.indirect.gather [hbm4b:s5+s6], $0x40, s22, s6, $0xb8;
	[tilespmem:$0x1A900] =	vst v63  }
0x7c: {  	_ =	swait.ge [sflag:s13], $0xC800  }
0x7d: {  	[sflag:s13] =	ssyncset.done $0x0  }
0x7e: {  	[sflag:s13] =	ssyncadd.s32 $0xFFFF3800  }
0x7f: {  	[hbm4b:s23+s2] =	stream.linear.scatter [tilespmem:s8], [sflag:$0x4], $0xC800, $0x38;
	[tilespmem:$0x1A900] =	vst v63  }
0x80: {  	_ =	swait.ge [sflag:s14], $0xC800  }
0x81: {  	[sflag:s14] =	ssyncset.done $0x0  }
0x82: {  	[sflag:s14] =	ssyncadd.s32 $0xFFFF3800  }
0x83: {  	[tilespmem:s8], [sflag:$0x2] =	stream.indirect.gather [hbm4b:s5+s6], $0x40, s24, s6, $0xb8;
	[tilespmem:$0x1A900] =	vst v63  }
0x84: {  	_ =	swait.ge [sflag:s9], $0xC800  }
0x85: {  	[sflag:s9] =	ssyncset.done $0x0  }
0x86: {  	[sflag:s9] =	ssyncadd.s32 $0xFFFF3800  }
0x87: {  	[hbm4b:s25+s2] =	stream.linear.scatter [tilespmem:s7], [sflag:$0x3], $0xC800, $0x38;
	[tilespmem:$0x1A900] =	vst v63  }
0x88: {  	_ =	swait.ge [sflag:s13], $0xC800  }
0x89: {  	[sflag:s13] =	ssyncset.done $0x0  }
0x8a: {  	[sflag:s13] =	ssyncadd.s32 $0xFFFF3800  }
0x8b: {  	[hbm4b:s26+s2] =	stream.linear.scatter [tilespmem:s8], [sflag:$0x4], $0xC800, $0x38;
	[tilespmem:$0x1A900] =	vst v63  }
.Ltmp1:
0x8c: {  	_ =	swait.ge [sflag:s11], $0xC800;
	(pc) =	sbr.rel @p0 .LBB2_1-.Ltmp1, $4  }
0x8d: {  	[sflag:s11] =	ssyncset.done $0x0  }
0x8e: {  	[sflag:s11] =	ssyncadd.s32 $0xFFFF3800  }
0x8f: {  	_ =	swait.ge [sflag:s14], $0xC800  }
0x90: {  	[sflag:s14] =	ssyncset.done $0x0  }
.LBB2_2:
0x91: {  	[sflag:s14] =	ssyncadd.s32 $0xFFFF3800  }
0x92: {  	_ =	sfence.sel $0x180000  }
0x93: {  	[bflag:$0x0] =	sbarrier.arrive $0xFFFF  }
0x94: {  	p0 =	sne.s32 s0, $0x0;
	_ =	strace $0x9000004A  }
0x95: {  	s0 =	sadd.s32 @!p0 $0x100000, s1;
	[bflag:$0x2] =	sbarrier.arrive $0xFFFF  }
0x96: {  	[sflag:s0] =	ssyncadd.tile.s32 @!p0 $0x1;
	_ =	shalt  }
.Lfunc_end2:
_tile_overlayer_lowered:
.L_overlay_start_2:
0x97: {  	(tag) =	ssettag $0x2  }
0x98: {  	s0 =	rddreg [dreg:$0x0];
	s2 =	stileid.u32  }
0x99: {  	s1 =	rddreg [dreg:$0x1];
	p0 =	sne.s32 s2, $0x0  }
0x9a: {  	s3 =	rddreg [dreg:$0x2];
	[bflag:$0x3] =	sbarrier.arrive $0xFFFF;
	s2 =	simm.s32 @!p0 $0x1C05  }
0x9b: {  	[timem:s3], [sflag:s2] =	dma.local @!p0 [hbm:s0], s1  }
0x9c: {  	s0 =	simm.s32 @!p0 $0x5  }
0x9d: {  	_ =	swait.ge @!p0 [sflag:s0], s1  }
0x9e: {  	s1 =	ssub.s32 @!p0 $0x0, s1;
	[sflag:s0] =	ssyncset.done @!p0 $0x0  }
0x9f: {  	[sflag:s0] =	ssyncadd.s32 @!p0 s1  }
0xa0: {  	[bflag:$0x3] =	sbarrier.arrive $0xFFFF  }
0xa1: {  	_ =	shalt  }

// kernel: sparse-core-data-format-call.cloned.1.call-start
scs
called_computation_lowered:
.L_overlay_start_0:
0x0: {  	s2 =	sld [smem:$0x3FD9]  }
0x1: {  	s3 =	sld [smem:$0x3FFE];
	_ =	sdelay $0x1  }
0x2: {  	s1 =	srdreg.scid  }
0x3: {  	s0 =	sand.u32 $0x1, s1  }
0x4: {  	s15 =	sshll.u32 s0, $0xA;
	s2 =	sadd.s32 s3, s2  }
0x5: {  	s2 =	sadd.s32 s2, s15  }
0x6: {  	[smem:$0x3FC6] =	sst s2  }
0x7: {  	_ = 	snop  }
0x8: {  	s2 =	sld [smem:$0x3FD0];
	_ =	sdelay $0x2  }
0x9: {  	s16 =	simm.s32 $0xA;
	s4 =	simm.s32 $0x10  }
0xa: {  	[smem:s4], [sflag:s16] =	dma.local [hbm:s2], $0x1  }
0xb: {  	_ =	swait.eq [sflag:s16], $0x1  }
0xc: {  	[sflag:s16] =	ssyncset.done $0x0  }
0xd: {  	[sflag:s16] =	ssyncadd.s32 $0xFFFFFFFF  }
0xe: {  	s17 =	sld [smem:$0x10];
	(tm) =	ssettm $0x1  }
0xf: {  	s18 =	sld [smem:$0x3FFB];
	_ =	sdelay $0x3  }
0x10: {  	_ =	strace s18  }
0x11: {  	s3 =	sld [smem:$0x3FFC];
	_ =	sdelay $0x3  }
0x12: {  	_ =	strace s3  }
0x13: {  	s3 =	sld [smem:$0x3FFD];
	_ =	sdelay $0x3  }
0x14: {  	_ =	strace s3  }
0x15: {  	_ =	strace $0x8FFFFFFF  }
0x16: {  	s19 =	sld [smem:$0x3FDB];
	_ =	sdelay $0x1  }
0x17: {  	s20 =	simm.s32 $_scs_section_size  }
0x18: {  	s5 =	simm.s32 $_size__tile_overlayer_lowered;
	s6 =	simm.s32 $_tile_overlayer_lowered  }
0x19: {  	s23 =	simm.s32 $0x1BFF;
	s22 =	sshll.u32 s6, $0x1;
	s3 =	sadd.s32 s20, s19  }
0x1a: {  	s7 =	simm.s32 $0x0;
	s21 =	sshll.u32 s5, $0x1;
	s5 =	sadd.s32 s22, s3  }
0x1b: {  	[timem:s7], [sflag:s23] =	dma.local [hbm:s5], s21  }
0x1c: {  	_ =	swait.ge [sflag:s23], s21  }
0x1d: {  	s4 =	ssub.s32 $0x0, s21;
	[sflag:s23] =	ssyncset.done $0x0  }
0x1e: {  	[sflag:s23] =	ssyncadd.s32 s4;
	_ =	sdelay $0x1  }
0x1f: {  	s24 =	simm.s32 $0x1B8B  }
0x20: {  	_ =	swait.ge [sflag:s24], $0x1  }
0x21: {  	[sflag:s24] =	ssyncset.done $0x0  }
0x22: {  	s26 =	simm.s32 $0x1B8E;
	s25 =	sld [smem:$0x3FFE];
	[sflag:s24] =	ssyncadd.s32 $0xFFFFFFFF  }
0x23: {  	s27 =	simm.s32 $execute0_lowered;
	[smem:$0x3FD2] =	sst s26  }
0x24: {  	s5 =	sshll.u32 s27, $0x1;
	_ =	strace $0x8000004C;
	[dreg:$0x1] =	wrdreg $0xFFFFFFFF  }
0x25: {  	s28 =	simm.s32 $_size_execute0_lowered;
	s3 =	sadd.s32 s3, s5;
	[dreg:$0x0] =	wrdreg $0x0  }
0x26: {  	s5 =	sshll.u32 s28, $0x1;
	[dreg:$0x2] =	wrdreg s3  }
0x27: {  	[dreg:$0x3] =	wrdreg s5  }
0x28: {  	[dreg:$0x4] =	wrdreg $0xC0  }
0x29: {  	_ =	task [dreg:s7], $0x5FFFF  }
0x2a: {  	[dreg:$0x1] =	wrdreg $0xFFFFFFFF  }
0x2b: {  	[dreg:$0x0] =	wrdreg $0x60  }
0x2c: {  	[dreg:$0x2] =	wrdreg s25  }
0x2d: {  	[dreg:$0x3] =	wrdreg s17  }
0x2e: {  	[dreg:$0x4] =	wrdreg $0x9  }
0x2f: {  	_ =	task.clear_ibuf [dreg:s7], $0x5FFFF;
	_ =	strace $0x9000004C  }
0x30: {  	s29 =	simm.s32 $0x9;
	_ =	strace $0x8000004E  }
0x31: {  	_ =	swait.ge [sflag:s29], $0x1  }
0x32: {  	[sflag:s29] =	ssyncadd.s32 $0xFFFFFFFF  }
0x33: {  	_ =	strace $0x9000004E  }
0x34: {  	_ =	sfence  }
0x35: {  	s30 =	sld [smem:$0x0];
	_ =	sdelay $0x2  }
0x36: {  	s31 =	sshll.u32 s1, $0xD;
	s1 =	sshrl.u32 s1, $0x2  }
0x37: {  	s3 =	sand.u32 $0x4000, s31;
	s1 =	sadd.s32 s1, s30  }
0x38: {  	s0 =	sor.u32 s3, s0;
	s1 =	sshll.u32 s1, $0x11  }
0x39: {  	s0 =	sor.u32 s1, s0  }
0x3a: {  	s0 =	sadd.s32 $0x8F2B, s0  }
0x3b: {  	[sflag:s0] =	ssyncadd.remote.s32 $0x1  }
0x3c: {  	_ =	sfence.sel $0xFFFF  }
0x3d: {  	[dreg:$0x0] =	wrdreg $0xFFFFFFFF;
	(pc) =	sbr.abs _section_cstart, $3  }
0x3e: {  	[dreg:$0x1] =	wrdreg $0xFFFFFFFF  }
0x3f: {  	_ =	task.clear_ibuf [dreg:s7], $0x2FFFF;
	_ =	strace $0x9FFFFFFF  }
0x40: {  	(tm) =	ssettm $0x7FFFFFFF  }
0x41: {  	_ =	shalt  }
tec
execute0_lowered:
.L_overlay_start_1:
0x0: {  	(tag) =	ssettag $0x1  }
0x1: {  	s0 =	stileid.u32;
	s6 =	rddreg [dreg:$0x0]  }
0x2: {  	s2 =	rddreg [dreg:$0x1];
	s5 =	srdreg.scid  }
0x3: {  	s31 =	simm.s32 $0x2;
	s13 =	simm.s32 $0x0;
	s1 =	sshll.u32 s0, $0x7  }
0x4: {  	s14 =	simm.s32 $0x0;
	s12 =	simm.s32 $0x0;
	s3 =	sand.u32 $0x380, s1  }
0x5: {  	s5 =	sshll.u32 s5, $0x4;
	s6 =	sadd.s32 $0x1400, s6;
	s4 =	ssub.s32 $0x400, s3  }
0x6: {  	s1 =	rddreg [dreg:$0x2];
	_ =	strace $0x8000004D;
	s7 =	sand.u32 $0x380, s4  }
0x7: {  	s5 =	sand.u32 $0x10, s5;
	p0 =	sne.s32 s7, $0x0;
	s7 =	simm.s32 $0x1  }
.Ltmp0:
0x8: {  	s8 =	sshrl.u32 s4, $0xA;
	s7 =	simm.s32 @!p0 $0x0;
	(pc) =	sbr.rel .LBB1_1-.Ltmp0, $4  }
0x9: {  	s9 =	sor.u32 s0, s5;
	s4 =	simm.s32 $0x1;
	s30 =	sadd.s32 s7, s8  }
0xa: {  	s11 =	smov.u32 s3;
	[sflag:s4] =	ssyncpa.u1 $0x0;
	s5 =	smul.u32 $0x32, s30  }
0xb: {  	[sflag:s31] =	ssyncpa.u1 $0x0;
	p0 =	por $0x0, $0x0;
	s7 =	sshrl.u32 s9, $0x3  }
0xc: {  	s9 =	simm.s32 $0x2000;
	s10 =	smov.u32 s7;
	s8 =	sor.u32 $0x1, s5  }
.LBB1_4:
0xd: {  	s17 =	sand.u32 $0x1F80, s14;
	s13 =	sshll.u32 s13, $0xD  }
0xe: {  	[tilespmem:s16+$0x810 ss:$0x81] =	vst.msk $0xffff, v2;
	s18 =	sshrl.u32 s14, $0x3;
	s31 =	sand.u32 $0x7, s14;
	s17 =	sadd.s32 s2, s17  }
0xf: {  	[tilespmem:s16+$0x1020 ss:$0x81] =	vst.msk $0xffff, v0;
	s18 =	sand.u32 $0xF, s18;
	s14 =	sshll.u32 s31, $0x12;
	s13 =	sadd.s32 s13, s17  }
0x10: {  	[tilespmem:s16+$0x0 ss:$0x81] =	vst.msk $0xffff, v1;
	s14 =	sor.u32 $0x400, s14;
	s13 =	sadd.s32 s18, s13  }
0x11: {  	[hbm4b:s13+s14] =	stream.strided.scatter [tilespmem:s15], [sflag:$0x2], $0x2000, s9, s14, $0x20;
	[tilespmem:$0x8080] =	vst v63  }
.LBB1_5:
0x12: {  	s15 =	sadd.s32 $0x4, s10  }
0x13: {  	s13 =	sadd.s32 $0x400, s11;
	s17 =	smov.u32 s11;
	p2 =	sgt.s32 s15, $0xC7  }
0x14: {  	s17 =	smov.u32 @p2 s13  }
0x15: {  	s15 =	smov.u32 @p2 s7;
	p2 =	sgt.s32 s17, $0x3FF  }
0x16: {  	s17 =	smov.u32 @p2 s3;
	p2 =	sne.s32 s12, s8  }
.Ltmp1:
0x17: {  	p1 =	slt.u32 s12, $0x2;
	(pc) =	sbr.rel @!p2 .LBB1_6-.Ltmp1, $4  }
0x18: {  	s16 =	simm.s32 @!p1 $0x2  }
0x19: {  	s14 =	smov.u32 s11;
	p0 =	por !p0, !p0;
	_ =	swait.ge @!p1 [sflag:s16], $0x2000  }
0x1a: {  	s13 =	smov.u32 s10;
	[sflag:s16] =	ssyncset.done @!p1 $0x0;
	s10 =	smov.u32 s15  }
0x1b: {  	s12 =	sadd.s32 $0x1, s12;
	[sflag:s16] =	ssyncadd.s32 @!p1 $0xFFFFE000;
	s11 =	smov.u32 s17  }
.LBB1_1:
0x1c: {  	p1 =	sge.u32 s12, s5  }
0x1d: {  	s15 =	sand.u32 @!p1 $0x1FFFFFF, s10  }
0x1e: {  	s16 =	smulhi.u32 @!p1 $0x147AE15, s15;
	_ =	sdelay $0x1  }
0x1f: {  	s16 =	smul.u32 @!p1 $0xC8, s16  }
0x20: {  	s17 =	sxor.u32 @!p1 $0xFFFFFFFF, s12;
	s18 =	smul.u32 @!p1 $0xC80, s11  }
0x21: {  	s31 =	sadd.s32 $0xFFFFFFFF, s12;
	s17 =	sshll.u32 @!p1 s17, $0xD;
	s15 =	ssub.s32 @!p1 s15, s16  }
0x22: {  	s16 =	sand.u32 @!p1 $0x2000, s17;
	s17 =	sadd.s32 @!p1 s6, s18;
	s15 =	sshll.u32 @!p1 s15, $0x4  }
0x23: {  	s18 =	simm.s32 @!p1 $0x6400;
	s15 =	sadd.s32 @!p1 s15, s17;
	s17 =	simm.s32 @!p1 $0x40  }
0x24: {  	[tilespmem:s16], [sflag:$0x1] =	stream.strided.gather @!p1 [hbm4b:s15+s17], $0x2000, s18, s17, $0x38;
	[tilespmem:$0x8080] =	vst v63  }
0x25: {  	p1 =	sge.u32 s31, s5  }
.Ltmp2:
0x26: {  	_ = 	snop;
	(pc) =	sbr.rel @p1 .LBB1_5-.Ltmp2, $1  }
0x27: {  	_ =	sdelay $0x3  }
0x28: {  	s15 =	simm.s32 $0x1  }
0x29: {  	_ =	swait.ge [sflag:s4], $0x2000;
	s15 =	simm.s32 @!p0 $0x0  }
0x2a: {  	[sflag:s4] =	ssyncset.done $0x0;
	s16 =	sshll.u32 s15, $0xD  }
0x2b: {  	[sflag:s4] =	ssyncadd.s32 $0xFFFFE000;
	s19 =	sor.u32 $0x20, s16  }
0x2c: {  	s15 =	smul.u32 $0x8100, s15;
	v3 =	vld [tilespmem:s19+$0x10]  }
0x2d: {  	s30 =	sand.u32 $0x1, s12;
	v2 =	vld [tilespmem:s19+$0xFFFFFFF0]  }
0x2e: {  	s16 =	smul.u32 $0x8100, s30;
	s15 =	sshrl.u32 s15, $0x2;
	v0 =	vld [tilespmem:s19+$0x0]  }
0x2f: {  	v1 =	vld [tilespmem:s19+$0xFFFFFFE0];
	s17 =	sor.u32 $0x4000, s15  }
0x30: {  	s31 =	sshrl.u32 s16, $0x2;
	s16 =	sadd.s32 $0x0, s17  }
0x31: {  	s18 =	simm.s32 $0x4;
	s19 =	sadd.s32 $0x40, s19;
	s15 =	sor.u32 $0x4000, s31;
	[tilespmem:s16+$0x1830 ss:$0x81] =	vst.msk $0xffff, v3  }
.LBB1_3:
0x32: {  	v3 =	vld [tilespmem:s19+$0x10];
	p1 =	sne.s32 s18, $0x1FC;
	[tilespmem:s16+$0x810 ss:$0x81] =	vst.msk $0xffff, v2;
	s20 =	smov.u32 s18;
	s18 =	sadd.s32 $0x4, s18  }
.Ltmp3:
0x33: {  	v2 =	vld [tilespmem:s19+$0xFFFFFFF0];
	[tilespmem:s16+$0x1020 ss:$0x81] =	vst.msk $0xffff, v0;
	(pc) =	sbr.rel @p1 .LBB1_3-.Ltmp3, $4  }
0x34: {  	v0 =	vld [tilespmem:s19+$0x0];
	[tilespmem:s16+$0x0 ss:$0x81] =	vst.msk $0xffff, v1  }
0x35: {  	s16 =	sshra.s32 s20, $0x2;
	v1 =	vld [tilespmem:s19+$0xFFFFFFE0]  }
0x36: {  	s16 =	sadd.s32 s16, s17  }
0x37: {  	s19 =	sadd.s32 $0x40, s19;
	[tilespmem:s16+$0x1830 ss:$0x81] =	vst.msk $0xffff, v3  }
.Ltmp4:
0x38: {  	_ = 	snop;
	(pc) =	sbr.rel .LBB1_4-.Ltmp4, $1  }
0x39: {  	_ =	sdelay $0x3  }
.LBB1_6:
0x3a: {  	_ =	sfence.sel $0x180000  }
0x3b: {  	s2 =	simm.s32 $0x1;
	[bflag:$0x0] =	sbarrier.arrive $0xFFFF  }
0x3c: {  	s31 =	simm.s32 $0x2;
	[sflag:s2] =	ssyncpa.u1 $0x1  }
0x3d: {  	[sflag:s31] =	ssyncpa.u1 $0x1  }
0x3e: {  	p0 =	sne.s32 s0, $0x0;
	_ =	strace $0x9000004D  }
0x3f: {  	s0 =	sadd.s32 @!p0 $0x100000, s1;
	[bflag:$0x2] =	sbarrier.arrive $0xFFFF  }
0x40: {  	[sflag:s0] =	ssyncadd.tile.s32 @!p0 $0x1;
	_ =	shalt  }
.Lfunc_end1:
_tile_overlayer_lowered:
.L_overlay_start_2:
0x41: {  	(tag) =	ssettag $0x2  }
0x42: {  	s0 =	rddreg [dreg:$0x0];
	s2 =	stileid.u32  }
0x43: {  	s1 =	rddreg [dreg:$0x1];
	p0 =	sne.s32 s2, $0x0  }
0x44: {  	s3 =	rddreg [dreg:$0x2];
	[bflag:$0x3] =	sbarrier.arrive $0xFFFF;
	s2 =	simm.s32 @!p0 $0x1C01  }
0x45: {  	[timem:s3], [sflag:s2] =	dma.local @!p0 [hbm:s0], s1  }
0x46: {  	s0 =	simm.s32 @!p0 $0x1  }
0x47: {  	_ =	swait.ge @!p0 [sflag:s0], s1  }
0x48: {  	s1 =	ssub.s32 @!p0 $0x0, s1;
	[sflag:s0] =	ssyncset.done @!p0 $0x0  }
0x49: {  	[sflag:s0] =	ssyncadd.s32 @!p0 s1  }
0x4a: {  	[bflag:$0x3] =	sbarrier.arrive $0xFFFF  }
0x4b: {  	_ =	shalt  }

</sc_bundles>
